<compile_context>
chip_gen: v7x
topology: tpu7x:2x2x1
jax: 0.10.2.dev20260603
libtpu: 0.0.44.dev20260713+nightly
codegen_flags: <defaults>
</compile_context>

<pallas_src>
import jax
import jax.numpy as jnp
from jax import lax
from jax.experimental import pallas as pl
from jax.experimental.pallas import tpu as pltpu
from jax.experimental.pallas import tpu_sc as plsc

N = 10000
NP = 10240
E = 320000
IN_CH = 128
HID = 64

NC = 2
NS = 16
NW = NC * NS
K = 128
NBUF = 6
CH = 79
EP = NW * K * CH
RPT = NP // NS

RB = 1024
NB = NP // RB


def _sc_mesh():
    return plsc.VectorSubcoreMesh(
        core_axis_name="c", subcore_axis_name="s", num_cores=NC, num_subcores=NS
    )


def _sc_agg(ec, y, d):

    def body(src_h, dst_h, y_h, zz_h, out_h, sidx, didx, rows, acc, sem):
        c = lax.axis_index("c")
        s = lax.axis_index("s")
        wid = c * NS + s
        r0 = s * RPT
        pltpu.sync_copy(zz_h.at[pl.ds(r0, RPT)], acc.at[pl.ds(r0, RPT)])
        plsc.subcore_barrier()
        base = wid * (K * CH)

        def step(i, carry):
            off = base + i * K
            pltpu.sync_copy(src_h.at[pl.ds(off, K)], sidx)
            pltpu.sync_copy(dst_h.at[pl.ds(off, K)], didx)
            pltpu.async_copy(y_h.at[sidx], rows, sem).wait()
            pltpu.sync_copy(rows, acc.at[didx], add=True)
            return carry

        lax.fori_loop(0, CH, step, 0)
        plsc.subcore_barrier()
        pltpu.sync_copy(acc.at[pl.ds(r0, RPT)], out_h.at[c, pl.ds(r0, RPT)])

    zeros = jnp.zeros((NP, d), jnp.float32)
    f = pl.kernel(
        body,
        out_type=jax.ShapeDtypeStruct((NC, NP, d), jnp.float32),
        mesh=_sc_mesh(),
        compiler_params=pltpu.CompilerParams(use_tc_tiling_on_sc=False),
        scratch_types=[
            pltpu.VMEM((K,), jnp.int32),
            pltpu.VMEM((K,), jnp.int32),
            pltpu.VMEM((K, d), jnp.float32),
            pltpu.VMEM_SHARED((NP, d), jnp.float32),
            pltpu.SemaphoreType.DMA,
        ],
    )
    return f(ec[0], ec[1], y, zeros)


def _tc_first(d0, d1, x, W1):

    def body(d0_r, d1_r, x_r, w_r, dis_r, y_r):
        dis = lax.rsqrt(d0_r[...] + d1_r[...] + 1.0)
        xw = jnp.dot(x_r[...], w_r[...], preferred_element_type=jnp.float32)
        dis_r[...] = dis
        y_r[...] = dis * xw

    return pl.pallas_call(
        body,
        grid=(NB,),
        in_specs=[
            pl.BlockSpec((RB, 1), lambda i: (i, 0)),
            pl.BlockSpec((RB, 1), lambda i: (i, 0)),
            pl.BlockSpec((RB, IN_CH), lambda i: (i, 0)),
            pl.BlockSpec((IN_CH, HID), lambda i: (0, 0)),
        ],
        out_specs=[
            pl.BlockSpec((RB, 1), lambda i: (i, 0)),
            pl.BlockSpec((RB, HID), lambda i: (i, 0)),
        ],
        out_shape=[
            jax.ShapeDtypeStruct((NP, 1), jnp.float32),
            jax.ShapeDtypeStruct((NP, HID), jnp.float32),
        ],
    )(d0, d1, x, W1)


def _tc_mid(p0, p1, y, dis, b, W, d_out):

    def body(p0_r, p1_r, y_r, dis_r, b_r, w_r, o_r):
        dis = dis_r[...]
        h = jnp.maximum(dis * (p0_r[...] + p1_r[...] + y_r[...]) + b_r[...], 0.0)
        o_r[...] = dis * jnp.dot(h, w_r[...], preferred_element_type=jnp.float32)

    return pl.pallas_call(
        body,
        grid=(NB,),
        in_specs=[
            pl.BlockSpec((RB, HID), lambda i: (i, 0)),
            pl.BlockSpec((RB, HID), lambda i: (i, 0)),
            pl.BlockSpec((RB, HID), lambda i: (i, 0)),
            pl.BlockSpec((RB, 1), lambda i: (i, 0)),
            pl.BlockSpec((1, HID), lambda i: (0, 0)),
            pl.BlockSpec((HID, d_out), lambda i: (0, 0)),
        ],
        out_specs=pl.BlockSpec((RB, d_out), lambda i: (i, 0)),
        out_shape=jax.ShapeDtypeStruct((NP, d_out), jnp.float32),
    )(p0, p1, y, dis, b, W)


def _tc_last(r0, r1, z, dis, b3):

    def body(r0_r, r1_r, z_r, dis_r, b_r, o_r):
        o_r[...] = dis_r[...] * (r0_r[...] + r1_r[...] + z_r[...]) + b_r[...]

    return pl.pallas_call(
        body,
        grid=(NB,),
        in_specs=[
            pl.BlockSpec((RB, 1), lambda i: (i, 0)),
            pl.BlockSpec((RB, 1), lambda i: (i, 0)),
            pl.BlockSpec((RB, 1), lambda i: (i, 0)),
            pl.BlockSpec((RB, 1), lambda i: (i, 0)),
            pl.BlockSpec((1, 1), lambda i: (0, 0)),
        ],
        out_specs=pl.BlockSpec((RB, 1), lambda i: (i, 0)),
        out_shape=jax.ShapeDtypeStruct((NP, 1), jnp.float32),
    )(r0, r1, z, dis, b3)


def kernel(x, edge_index, W1, b1, W2, b2, W3, b3):
    ei = edge_index.astype(jnp.int32)
    pad = jnp.full((2, EP - E), N, jnp.int32)
    ec = jnp.concatenate([ei, pad], axis=1)
    xp = jnp.zeros((NP, IN_CH), jnp.float32).at[:N].set(x)

    DS = 16
    ones16 = jnp.ones((NP, DS), jnp.float32)
    degp = _sc_agg(ec, ones16, DS)
    dis, y1 = _tc_first(degp[0, :, 0:1], degp[1, :, 0:1], xp, W1)

    p = _sc_agg(ec, y1, HID)
    y2 = _tc_mid(p[0], p[1], y1, dis, b1.reshape(1, HID), W2, HID)

    q = _sc_agg(ec, y2, HID)
    z = _tc_mid(q[0], q[1], y2, dis, b2.reshape(1, HID), W3, 1)

    z16 = jnp.pad(z, ((0, 0), (0, DS - 1)))
    r = _sc_agg(ec, z16, DS)
    out = _tc_last(r[0, :, 0:1], r[1, :, 0:1], z, dis, b3.reshape(1, 1))
    return out[:N, 0]

# --- scband reference (transcript-rebuilt; emitter-appended) ---
"""Pipeline reference for scband-gcnmodel-83623013253773 (READ-ONLY COPY).

The authoritative reference and input builder live on the scoring server;
editing this copy changes nothing except your own understanding.
"""

import jax, jax.numpy as jnp
import numpy as np

N_NODES = 10000
N_EDGES = 320000
IN_CH = 128
HID = 64


def gcn_conv(x, edge_index, W, b):
    # Faithful GCNConv (PyG semantics): linear transform, add self-loops,
    # symmetric normalization deg^-1/2 * A_hat * deg^-1/2, scatter-add aggregation, bias.
    N = x.shape[0]
    src = edge_index[0]
    dst = edge_index[1]
    loop = jnp.arange(N, dtype=src.dtype)
    src = jnp.concatenate([src, loop])
    dst = jnp.concatenate([dst, loop])
    ones = jnp.ones(src.shape[0], dtype=x.dtype)
    deg = jnp.zeros((N,), dtype=x.dtype).at[dst].add(ones)
    deg_inv_sqrt = jnp.where(deg > 0, deg ** -0.5, 0.0)
    norm = deg_inv_sqrt[src] * deg_inv_sqrt[dst]
    xw = x @ W
    msg = xw[src] * norm[:, None]
    out = jnp.zeros((N, W.shape[1]), dtype=x.dtype).at[dst].add(msg)
    return out + b


def setup_inputs(seed: int = 0) -> dict:
    key = jax.random.key(seed)
    k0, k1, k2, k3, k4 = jax.random.split(key, 5)
    x = jax.random.normal(k0, (N_NODES, IN_CH), dtype=jnp.float32)
    edge_index = jax.random.randint(k1, (2, N_EDGES), 0, N_NODES, dtype=jnp.int64)
    s1 = 1.0 / np.sqrt(IN_CH)
    s2 = 1.0 / np.sqrt(HID)
    W1 = jax.random.uniform(k2, (IN_CH, HID), jnp.float32, -s1, s1)
    b1 = jnp.zeros((HID,), jnp.float32)
    W2 = jax.random.uniform(k3, (HID, HID), jnp.float32, -s2, s2)
    b2 = jnp.zeros((HID,), jnp.float32)
    W3 = jax.random.uniform(k4, (HID, 1), jnp.float32, -s2, s2)
    b3 = jnp.zeros((1,), jnp.float32)
    return {"x": x, "edge_index": edge_index, "W1": W1, "b1": b1, "W2": W2, "b2": b2, "W3": W3, "b3": b3}


def reference(x, edge_index, W1, b1, W2, b2, W3, b3):
    # Layer 1: GCNConv(in, hidden) + ReLU (dropout is identity in eval mode)
    h = gcn_conv(x, edge_index, W1, b1)
    h = jax.nn.relu(h)
    # Layer 2: GCNConv(hidden, hidden) + ReLU
    h = gcn_conv(h, edge_index, W2, b2)
    h = jax.nn.relu(h)
    # Layer 3: GCNConv(hidden, 1), squeeze last dim
    h = gcn_conv(h, edge_index, W3, b3)
    return h.squeeze(-1)

if __name__ == "__main__":
    import jax
    _d = setup_inputs()
    print(jax.jit(kernel)(*tuple(_d.values())))

</pallas_src>

<mosaic_0001>
#map = affine_map<(d0, d1) -> (0)>
#map1 = affine_map<(d0, d1) -> (0, 0)>
#map2 = affine_map<(d0, d1) -> (0, 0, 0)>
module attributes {stable_mosaic.version = 14 : i64} {
  func.func @body(%arg0: i32, %arg1: i32, %arg2: memref<323584xi32, #tpu.memory_space<hbm>>, %arg3: memref<323584xi32, #tpu.memory_space<hbm>>, %arg4: memref<10240x64xf32, #tpu.memory_space<hbm>>, %arg5: memref<10240x64xf32, #tpu.memory_space<hbm>>, %arg6: memref<2x10240x64xf32, #tpu.memory_space<hbm>>, %arg7: memref<128xi32, #tpu.memory_space<vmem>>, %arg8: memref<128xi32, #tpu.memory_space<vmem>>, %arg9: memref<128x64xf32, #tpu.memory_space<vmem>>, %arg10: memref<10240x64xf32, #tpu.memory_space<vmem_shared>>, %arg11: memref<!tpu.dma_semaphore, #tpu.memory_space<semaphore_mem>>) attributes {dimension_semantics = [#tpu.dimension_semantics<core_parallel>, #tpu.dimension_semantics<subcore_parallel>], iteration_bounds = array<i64: 2, 16>, scalar_prefetch = 0 : i64, scratch_operands = 5 : i64, tpu.core_type = #tpu.core_type<sc_vector_subcore>, window_params = [{transform_indices = #map}, {transform_indices = #map}, {transform_indices = #map1}, {transform_indices = #map1}, {transform_indices = #map2}]} {
    %mul3A = arith.constant 16 : i32
    %mul3A_0 = arith.muli %arg0, %mul3A : i32
    %add3A = arith.addi %mul3A_0, %arg1 : i32
    %mul3A_1 = arith.constant 640 : i32
    %mul3A_2 = arith.muli %arg1, %mul3A_1 : i32
    "tpu.region"() ({
      %run_scoped3A = tpu.sem_alloc : memref<!tpu.dma_semaphore, #tpu.memory_space<semaphore_mem>>
      %dma_start3A = arith.constant 0 : i32
      %dma_start3A_11 = tpu.memref_slice %arg10[%mul3A_2, %dma_start3A] : memref<10240x64xf32, #tpu.memory_space<vmem_shared>> -> memref<640x64xf32, #tpu.memory_space<vmem_shared>>
      %dma_start3A_12 = arith.constant 0 : i32
      %dma_start3A_13 = tpu.memref_slice %arg5[%mul3A_2, %dma_start3A_12] : memref<10240x64xf32, #tpu.memory_space<hbm>> -> memref<640x64xf32, #tpu.memory_space<hbm>>
      tpu.enqueue_dma source(%dma_start3A_13 : memref<640x64xf32, #tpu.memory_space<hbm>>) target(%dma_start3A_11 : memref<640x64xf32, #tpu.memory_space<vmem_shared>>) target_semaphore(%run_scoped3A : memref<!tpu.dma_semaphore, #tpu.memory_space<semaphore_mem>>)
      %dma_wait3A = arith.constant 0 : i32
      %dma_wait3A_14 = tpu.memref_slice %arg10[%mul3A_2, %dma_wait3A] : memref<10240x64xf32, #tpu.memory_space<vmem_shared>> -> memref<640x64xf32, #tpu.memory_space<vmem_shared>>
      %dma_wait3A_15 = arith.constant 0 : i32
      %dma_wait3A_16 = tpu.memref_slice %arg5[%mul3A_2, %dma_wait3A_15] : memref<10240x64xf32, #tpu.memory_space<hbm>> -> memref<640x64xf32, #tpu.memory_space<hbm>>
      tpu.wait_dma2 semaphore(%run_scoped3A : memref<!tpu.dma_semaphore, #tpu.memory_space<semaphore_mem>>) src(%dma_wait3A_16 : memref<640x64xf32, #tpu.memory_space<hbm>>) dst(%dma_wait3A_14 : memref<640x64xf32, #tpu.memory_space<vmem_shared>>)
      tpu.yield
    }) : () -> ()
    %barrier3A = arith.constant 0 : index
    tpu.barrier barrier_id(%barrier3A)
    %mul3A_3 = arith.constant 10112 : i32
    %mul3A_4 = arith.muli %add3A, %mul3A_3 : i32
    %scan3A = arith.constant 0 : i32
    %scan3A_5 = arith.constant 0 : i32
    %scan3A_6 = arith.constant 79 : i32
    %scan3A_7 = arith.addi %scan3A_5, %scan3A_6 : i32
    %scan3A_8 = arith.constant 1 : i32
    scf.for %scan3A_11 = %scan3A_5 to %scan3A_7 step %scan3A_8  : i32 {
      %mul3A_12 = arith.constant 128 : i32
      %mul3A_13 = arith.muli %scan3A_11, %mul3A_12 : i32
      %add3A_14 = arith.addi %mul3A_4, %mul3A_13 : i32
      "tpu.region"() ({
        %run_scoped3A = tpu.sem_alloc : memref<!tpu.dma_semaphore, #tpu.memory_space<semaphore_mem>>
        %dma_start3A_19 = tpu.memref_slice %arg2[%add3A_14] : memref<323584xi32, #tpu.memory_space<hbm>> -> memref<128xi32, #tpu.memory_space<hbm>>
        %dma_start3A_20 = tpu.memref_slice %arg2[%add3A_14] : memref<323584xi32, #tpu.memory_space<hbm>> -> memref<128xi32, #tpu.memory_space<hbm>>
        tpu.enqueue_dma source(%dma_start3A_20 : memref<128xi32, #tpu.memory_space<hbm>>) target(%arg7 : memref<128xi32, #tpu.memory_space<vmem>>) target_semaphore(%run_scoped3A : memref<!tpu.dma_semaphore, #tpu.memory_space<semaphore_mem>>)
        %dma_wait3A_21 = tpu.memref_slice %arg2[%add3A_14] : memref<323584xi32, #tpu.memory_space<hbm>> -> memref<128xi32, #tpu.memory_space<hbm>>
        %dma_wait3A_22 = tpu.memref_slice %arg2[%add3A_14] : memref<323584xi32, #tpu.memory_space<hbm>> -> memref<128xi32, #tpu.memory_space<hbm>>
        tpu.wait_dma2 semaphore(%run_scoped3A : memref<!tpu.dma_semaphore, #tpu.memory_space<semaphore_mem>>) src(%dma_wait3A_22 : memref<128xi32, #tpu.memory_space<hbm>>) dst(%arg7 : memref<128xi32, #tpu.memory_space<vmem>>)
        tpu.yield
      }) : () -> ()
      "tpu.region"() ({
        %run_scoped3A = tpu.sem_alloc : memref<!tpu.dma_semaphore, #tpu.memory_space<semaphore_mem>>
        %dma_start3A_19 = tpu.memref_slice %arg3[%add3A_14] : memref<323584xi32, #tpu.memory_space<hbm>> -> memref<128xi32, #tpu.memory_space<hbm>>
        %dma_start3A_20 = tpu.memref_slice %arg3[%add3A_14] : memref<323584xi32, #tpu.memory_space<hbm>> -> memref<128xi32, #tpu.memory_space<hbm>>
        tpu.enqueue_dma source(%dma_start3A_20 : memref<128xi32, #tpu.memory_space<hbm>>) target(%arg8 : memref<128xi32, #tpu.memory_space<vmem>>) target_semaphore(%run_scoped3A : memref<!tpu.dma_semaphore, #tpu.memory_space<semaphore_mem>>)
        %dma_wait3A_21 = tpu.memref_slice %arg3[%add3A_14] : memref<323584xi32, #tpu.memory_space<hbm>> -> memref<128xi32, #tpu.memory_space<hbm>>
        %dma_wait3A_22 = tpu.memref_slice %arg3[%add3A_14] : memref<323584xi32, #tpu.memory_space<hbm>> -> memref<128xi32, #tpu.memory_space<hbm>>
        tpu.wait_dma2 semaphore(%run_scoped3A : memref<!tpu.dma_semaphore, #tpu.memory_space<semaphore_mem>>) src(%dma_wait3A_22 : memref<128xi32, #tpu.memory_space<hbm>>) dst(%arg8 : memref<128xi32, #tpu.memory_space<vmem>>)
        tpu.yield
      }) : () -> ()
      %dma_start3A = arith.constant 0 : i32
      %dma_start3A_15 = arith.constant 0 : i32
      %dma_start3A_16 = tpu.memref_slice %arg4[%dma_start3A, %dma_start3A_15] : memref<10240x64xf32, #tpu.memory_space<hbm>> -> memref<10240x64xf32, #tpu.memory_space<hbm>>
      tpu.enqueue_indirect_dma source(%dma_start3A_16 : memref<10240x64xf32, #tpu.memory_space<hbm>>) target(%arg9 : memref<128x64xf32, #tpu.memory_space<vmem>>) offsets(%arg7 : memref<128xi32, #tpu.memory_space<vmem>>) semaphore(%arg11 : memref<!tpu.dma_semaphore, #tpu.memory_space<semaphore_mem>>)
      %dma_wait3A = arith.constant 0 : i32
      %dma_wait3A_17 = arith.constant 0 : i32
      %dma_wait3A_18 = tpu.memref_slice %arg4[%dma_wait3A, %dma_wait3A_17] : memref<10240x64xf32, #tpu.memory_space<hbm>> -> memref<10240x64xf32, #tpu.memory_space<hbm>>
      tpu.wait_indirect_dma semaphore(%arg11 : memref<!tpu.dma_semaphore, #tpu.memory_space<semaphore_mem>>) src(%dma_wait3A_18 : memref<10240x64xf32, #tpu.memory_space<hbm>>) dst(%arg9 : memref<128x64xf32, #tpu.memory_space<vmem>>)
      "tpu.region"() ({
        %run_scoped3A = tpu.sem_alloc : memref<!tpu.dma_semaphore, #tpu.memory_space<semaphore_mem>>
        %dma_start3A_19 = arith.constant 0 : i32
        %dma_start3A_20 = arith.constant 0 : i32
        %dma_start3A_21 = tpu.memref_slice %arg10[%dma_start3A_19, %dma_start3A_20] : memref<10240x64xf32, #tpu.memory_space<vmem_shared>> -> memref<10240x64xf32, #tpu.memory_space<vmem_shared>>
        tpu.enqueue_indirect_dma source(%arg9 : memref<128x64xf32, #tpu.memory_space<vmem>>) target(%dma_start3A_21 : memref<10240x64xf32, #tpu.memory_space<vmem_shared>>) offsets(%arg8 : memref<128xi32, #tpu.memory_space<vmem>>) semaphore(%run_scoped3A : memref<!tpu.dma_semaphore, #tpu.memory_space<semaphore_mem>>) {add = true}
        %dma_wait3A_22 = arith.constant 0 : i32
        %dma_wait3A_23 = arith.constant 0 : i32
        %dma_wait3A_24 = tpu.memref_slice %arg10[%dma_wait3A_22, %dma_wait3A_23] : memref<10240x64xf32, #tpu.memory_space<vmem_shared>> -> memref<10240x64xf32, #tpu.memory_space<vmem_shared>>
        tpu.wait_indirect_dma semaphore(%run_scoped3A : memref<!tpu.dma_semaphore, #tpu.memory_space<semaphore_mem>>) src(%arg9 : memref<128x64xf32, #tpu.memory_space<vmem>>) dst(%dma_wait3A_24 : memref<10240x64xf32, #tpu.memory_space<vmem_shared>>)
        tpu.yield
      }) : () -> ()
    }
    %scan3A_9 = arith.constant 79 : i32
    %barrier3A_10 = arith.constant 0 : index
    tpu.barrier barrier_id(%barrier3A_10)
    "tpu.region"() ({
      %run_scoped3A = tpu.sem_alloc : memref<!tpu.dma_semaphore, #tpu.memory_space<semaphore_mem>>
      %dma_start3A = arith.constant 0 : i32
      %dma_start3A_11 = tpu.memref_slice %arg6[%arg0, %mul3A_2, %dma_start3A] : memref<2x10240x64xf32, #tpu.memory_space<hbm>> -> memref<1x640x64xf32, #tpu.memory_space<hbm>>
      %dma_start3A_12 = tpu.memref_squeeze %dma_start3A_11 : memref<1x640x64xf32, #tpu.memory_space<hbm>> -> memref<640x64xf32, #tpu.memory_space<hbm>>
      %dma_start3A_13 = arith.constant 0 : i32
      %dma_start3A_14 = tpu.memref_slice %arg10[%mul3A_2, %dma_start3A_13] : memref<10240x64xf32, #tpu.memory_space<vmem_shared>> -> memref<640x64xf32, #tpu.memory_space<vmem_shared>>
      tpu.enqueue_dma source(%dma_start3A_14 : memref<640x64xf32, #tpu.memory_space<vmem_shared>>) target(%dma_start3A_12 : memref<640x64xf32, #tpu.memory_space<hbm>>) target_semaphore(%run_scoped3A : memref<!tpu.dma_semaphore, #tpu.memory_space<semaphore_mem>>)
      %dma_wait3A = arith.constant 0 : i32
      %dma_wait3A_15 = tpu.memref_slice %arg6[%arg0, %mul3A_2, %dma_wait3A] : memref<2x10240x64xf32, #tpu.memory_space<hbm>> -> memref<1x640x64xf32, #tpu.memory_space<hbm>>
      %dma_wait3A_16 = tpu.memref_squeeze %dma_wait3A_15 : memref<1x640x64xf32, #tpu.memory_space<hbm>> -> memref<640x64xf32, #tpu.memory_space<hbm>>
      %dma_wait3A_17 = arith.constant 0 : i32
      %dma_wait3A_18 = tpu.memref_slice %arg10[%mul3A_2, %dma_wait3A_17] : memref<10240x64xf32, #tpu.memory_space<vmem_shared>> -> memref<640x64xf32, #tpu.memory_space<vmem_shared>>
      tpu.wait_dma2 semaphore(%run_scoped3A : memref<!tpu.dma_semaphore, #tpu.memory_space<semaphore_mem>>) src(%dma_wait3A_18 : memref<640x64xf32, #tpu.memory_space<vmem_shared>>) dst(%dma_wait3A_16 : memref<640x64xf32, #tpu.memory_space<hbm>>)
      tpu.yield
    }) : () -> ()
    return
  }
}

#map = affine_map<(d0, d1) -> (0)>
#map1 = affine_map<(d0, d1) -> (0, 0)>
#map2 = affine_map<(d0, d1) -> (0, 0, 0)>
module attributes {stable_mosaic.version = 14 : i64} {
  func.func @body(%arg0: i32, %arg1: i32, %arg2: memref<323584xi32, #tpu.memory_space<hbm>>, %arg3: memref<323584xi32, #tpu.memory_space<hbm>>, %arg4: memref<10240x16xf32, #tpu.memory_space<hbm>>, %arg5: memref<10240x16xf32, #tpu.memory_space<hbm>>, %arg6: memref<2x10240x16xf32, #tpu.memory_space<hbm>>, %arg7: memref<128xi32, #tpu.memory_space<vmem>>, %arg8: memref<128xi32, #tpu.memory_space<vmem>>, %arg9: memref<128x16xf32, #tpu.memory_space<vmem>>, %arg10: memref<10240x16xf32, #tpu.memory_space<vmem_shared>>, %arg11: memref<!tpu.dma_semaphore, #tpu.memory_space<semaphore_mem>>) attributes {dimension_semantics = [#tpu.dimension_semantics<core_parallel>, #tpu.dimension_semantics<subcore_parallel>], iteration_bounds = array<i64: 2, 16>, scalar_prefetch = 0 : i64, scratch_operands = 5 : i64, tpu.core_type = #tpu.core_type<sc_vector_subcore>, window_params = [{transform_indices = #map}, {transform_indices = #map}, {transform_indices = #map1}, {transform_indices = #map1}, {transform_indices = #map2}]} {
    %mul3A = arith.constant 16 : i32
    %mul3A_0 = arith.muli %arg0, %mul3A : i32
    %add3A = arith.addi %mul3A_0, %arg1 : i32
    %mul3A_1 = arith.constant 640 : i32
    %mul3A_2 = arith.muli %arg1, %mul3A_1 : i32
    "tpu.region"() ({
      %run_scoped3A = tpu.sem_alloc : memref<!tpu.dma_semaphore, #tpu.memory_space<semaphore_mem>>
      %dma_start3A = arith.constant 0 : i32
      %dma_start3A_11 = tpu.memref_slice %arg10[%mul3A_2, %dma_start3A] : memref<10240x16xf32, #tpu.memory_space<vmem_shared>> -> memref<640x16xf32, #tpu.memory_space<vmem_shared>>
      %dma_start3A_12 = arith.constant 0 : i32
      %dma_start3A_13 = tpu.memref_slice %arg5[%mul3A_2, %dma_start3A_12] : memref<10240x16xf32, #tpu.memory_space<hbm>> -> memref<640x16xf32, #tpu.memory_space<hbm>>
      tpu.enqueue_dma source(%dma_start3A_13 : memref<640x16xf32, #tpu.memory_space<hbm>>) target(%dma_start3A_11 : memref<640x16xf32, #tpu.memory_space<vmem_shared>>) target_semaphore(%run_scoped3A : memref<!tpu.dma_semaphore, #tpu.memory_space<semaphore_mem>>)
      %dma_wait3A = arith.constant 0 : i32
      %dma_wait3A_14 = tpu.memref_slice %arg10[%mul3A_2, %dma_wait3A] : memref<10240x16xf32, #tpu.memory_space<vmem_shared>> -> memref<640x16xf32, #tpu.memory_space<vmem_shared>>
      %dma_wait3A_15 = arith.constant 0 : i32
      %dma_wait3A_16 = tpu.memref_slice %arg5[%mul3A_2, %dma_wait3A_15] : memref<10240x16xf32, #tpu.memory_space<hbm>> -> memref<640x16xf32, #tpu.memory_space<hbm>>
      tpu.wait_dma2 semaphore(%run_scoped3A : memref<!tpu.dma_semaphore, #tpu.memory_space<semaphore_mem>>) src(%dma_wait3A_16 : memref<640x16xf32, #tpu.memory_space<hbm>>) dst(%dma_wait3A_14 : memref<640x16xf32, #tpu.memory_space<vmem_shared>>)
      tpu.yield
    }) : () -> ()
    %barrier3A = arith.constant 0 : index
    tpu.barrier barrier_id(%barrier3A)
    %mul3A_3 = arith.constant 10112 : i32
    %mul3A_4 = arith.muli %add3A, %mul3A_3 : i32
    %scan3A = arith.constant 0 : i32
    %scan3A_5 = arith.constant 0 : i32
    %scan3A_6 = arith.constant 79 : i32
    %scan3A_7 = arith.addi %scan3A_5, %scan3A_6 : i32
    %scan3A_8 = arith.constant 1 : i32
    scf.for %scan3A_11 = %scan3A_5 to %scan3A_7 step %scan3A_8  : i32 {
      %mul3A_12 = arith.constant 128 : i32
      %mul3A_13 = arith.muli %scan3A_11, %mul3A_12 : i32
      %add3A_14 = arith.addi %mul3A_4, %mul3A_13 : i32
      "tpu.region"() ({
        %run_scoped3A = tpu.sem_alloc : memref<!tpu.dma_semaphore, #tpu.memory_space<semaphore_mem>>
        %dma_start3A_19 = tpu.memref_slice %arg2[%add3A_14] : memref<323584xi32, #tpu.memory_space<hbm>> -> memref<128xi32, #tpu.memory_space<hbm>>
        %dma_start3A_20 = tpu.memref_slice %arg2[%add3A_14] : memref<323584xi32, #tpu.memory_space<hbm>> -> memref<128xi32, #tpu.memory_space<hbm>>
        tpu.enqueue_dma source(%dma_start3A_20 : memref<128xi32, #tpu.memory_space<hbm>>) target(%arg7 : memref<128xi32, #tpu.memory_space<vmem>>) target_semaphore(%run_scoped3A : memref<!tpu.dma_semaphore, #tpu.memory_space<semaphore_mem>>)
        %dma_wait3A_21 = tpu.memref_slice %arg2[%add3A_14] : memref<323584xi32, #tpu.memory_space<hbm>> -> memref<128xi32, #tpu.memory_space<hbm>>
        %dma_wait3A_22 = tpu.memref_slice %arg2[%add3A_14] : memref<323584xi32, #tpu.memory_space<hbm>> -> memref<128xi32, #tpu.memory_space<hbm>>
        tpu.wait_dma2 semaphore(%run_scoped3A : memref<!tpu.dma_semaphore, #tpu.memory_space<semaphore_mem>>) src(%dma_wait3A_22 : memref<128xi32, #tpu.memory_space<hbm>>) dst(%arg7 : memref<128xi32, #tpu.memory_space<vmem>>)
        tpu.yield
      }) : () -> ()
      "tpu.region"() ({
        %run_scoped3A = tpu.sem_alloc : memref<!tpu.dma_semaphore, #tpu.memory_space<semaphore_mem>>
        %dma_start3A_19 = tpu.memref_slice %arg3[%add3A_14] : memref<323584xi32, #tpu.memory_space<hbm>> -> memref<128xi32, #tpu.memory_space<hbm>>
        %dma_start3A_20 = tpu.memref_slice %arg3[%add3A_14] : memref<323584xi32, #tpu.memory_space<hbm>> -> memref<128xi32, #tpu.memory_space<hbm>>
        tpu.enqueue_dma source(%dma_start3A_20 : memref<128xi32, #tpu.memory_space<hbm>>) target(%arg8 : memref<128xi32, #tpu.memory_space<vmem>>) target_semaphore(%run_scoped3A : memref<!tpu.dma_semaphore, #tpu.memory_space<semaphore_mem>>)
        %dma_wait3A_21 = tpu.memref_slice %arg3[%add3A_14] : memref<323584xi32, #tpu.memory_space<hbm>> -> memref<128xi32, #tpu.memory_space<hbm>>
        %dma_wait3A_22 = tpu.memref_slice %arg3[%add3A_14] : memref<323584xi32, #tpu.memory_space<hbm>> -> memref<128xi32, #tpu.memory_space<hbm>>
        tpu.wait_dma2 semaphore(%run_scoped3A : memref<!tpu.dma_semaphore, #tpu.memory_space<semaphore_mem>>) src(%dma_wait3A_22 : memref<128xi32, #tpu.memory_space<hbm>>) dst(%arg8 : memref<128xi32, #tpu.memory_space<vmem>>)
        tpu.yield
      }) : () -> ()
      %dma_start3A = arith.constant 0 : i32
      %dma_start3A_15 = arith.constant 0 : i32
      %dma_start3A_16 = tpu.memref_slice %arg4[%dma_start3A, %dma_start3A_15] : memref<10240x16xf32, #tpu.memory_space<hbm>> -> memref<10240x16xf32, #tpu.memory_space<hbm>>
      tpu.enqueue_indirect_dma source(%dma_start3A_16 : memref<10240x16xf32, #tpu.memory_space<hbm>>) target(%arg9 : memref<128x16xf32, #tpu.memory_space<vmem>>) offsets(%arg7 : memref<128xi32, #tpu.memory_space<vmem>>) semaphore(%arg11 : memref<!tpu.dma_semaphore, #tpu.memory_space<semaphore_mem>>)
      %dma_wait3A = arith.constant 0 : i32
      %dma_wait3A_17 = arith.constant 0 : i32
      %dma_wait3A_18 = tpu.memref_slice %arg4[%dma_wait3A, %dma_wait3A_17] : memref<10240x16xf32, #tpu.memory_space<hbm>> -> memref<10240x16xf32, #tpu.memory_space<hbm>>
      tpu.wait_indirect_dma semaphore(%arg11 : memref<!tpu.dma_semaphore, #tpu.memory_space<semaphore_mem>>) src(%dma_wait3A_18 : memref<10240x16xf32, #tpu.memory_space<hbm>>) dst(%arg9 : memref<128x16xf32, #tpu.memory_space<vmem>>)
      "tpu.region"() ({
        %run_scoped3A = tpu.sem_alloc : memref<!tpu.dma_semaphore, #tpu.memory_space<semaphore_mem>>
        %dma_start3A_19 = arith.constant 0 : i32
        %dma_start3A_20 = arith.constant 0 : i32
        %dma_start3A_21 = tpu.memref_slice %arg10[%dma_start3A_19, %dma_start3A_20] : memref<10240x16xf32, #tpu.memory_space<vmem_shared>> -> memref<10240x16xf32, #tpu.memory_space<vmem_shared>>
        tpu.enqueue_indirect_dma source(%arg9 : memref<128x16xf32, #tpu.memory_space<vmem>>) target(%dma_start3A_21 : memref<10240x16xf32, #tpu.memory_space<vmem_shared>>) offsets(%arg8 : memref<128xi32, #tpu.memory_space<vmem>>) semaphore(%run_scoped3A : memref<!tpu.dma_semaphore, #tpu.memory_space<semaphore_mem>>) {add = true}
        %dma_wait3A_22 = arith.constant 0 : i32
        %dma_wait3A_23 = arith.constant 0 : i32
        %dma_wait3A_24 = tpu.memref_slice %arg10[%dma_wait3A_22, %dma_wait3A_23] : memref<10240x16xf32, #tpu.memory_space<vmem_shared>> -> memref<10240x16xf32, #tpu.memory_space<vmem_shared>>
        tpu.wait_indirect_dma semaphore(%run_scoped3A : memref<!tpu.dma_semaphore, #tpu.memory_space<semaphore_mem>>) src(%arg9 : memref<128x16xf32, #tpu.memory_space<vmem>>) dst(%dma_wait3A_24 : memref<10240x16xf32, #tpu.memory_space<vmem_shared>>)
        tpu.yield
      }) : () -> ()
    }
    %scan3A_9 = arith.constant 79 : i32
    %barrier3A_10 = arith.constant 0 : index
    tpu.barrier barrier_id(%barrier3A_10)
    "tpu.region"() ({
      %run_scoped3A = tpu.sem_alloc : memref<!tpu.dma_semaphore, #tpu.memory_space<semaphore_mem>>
      %dma_start3A = arith.constant 0 : i32
      %dma_start3A_11 = tpu.memref_slice %arg6[%arg0, %mul3A_2, %dma_start3A] : memref<2x10240x16xf32, #tpu.memory_space<hbm>> -> memref<1x640x16xf32, #tpu.memory_space<hbm>>
      %dma_start3A_12 = tpu.memref_squeeze %dma_start3A_11 : memref<1x640x16xf32, #tpu.memory_space<hbm>> -> memref<640x16xf32, #tpu.memory_space<hbm>>
      %dma_start3A_13 = arith.constant 0 : i32
      %dma_start3A_14 = tpu.memref_slice %arg10[%mul3A_2, %dma_start3A_13] : memref<10240x16xf32, #tpu.memory_space<vmem_shared>> -> memref<640x16xf32, #tpu.memory_space<vmem_shared>>
      tpu.enqueue_dma source(%dma_start3A_14 : memref<640x16xf32, #tpu.memory_space<vmem_shared>>) target(%dma_start3A_12 : memref<640x16xf32, #tpu.memory_space<hbm>>) target_semaphore(%run_scoped3A : memref<!tpu.dma_semaphore, #tpu.memory_space<semaphore_mem>>)
      %dma_wait3A = arith.constant 0 : i32
      %dma_wait3A_15 = tpu.memref_slice %arg6[%arg0, %mul3A_2, %dma_wait3A] : memref<2x10240x16xf32, #tpu.memory_space<hbm>> -> memref<1x640x16xf32, #tpu.memory_space<hbm>>
      %dma_wait3A_16 = tpu.memref_squeeze %dma_wait3A_15 : memref<1x640x16xf32, #tpu.memory_space<hbm>> -> memref<640x16xf32, #tpu.memory_space<hbm>>
      %dma_wait3A_17 = arith.constant 0 : i32
      %dma_wait3A_18 = tpu.memref_slice %arg10[%mul3A_2, %dma_wait3A_17] : memref<10240x16xf32, #tpu.memory_space<vmem_shared>> -> memref<640x16xf32, #tpu.memory_space<vmem_shared>>
      tpu.wait_dma2 semaphore(%run_scoped3A : memref<!tpu.dma_semaphore, #tpu.memory_space<semaphore_mem>>) src(%dma_wait3A_18 : memref<640x16xf32, #tpu.memory_space<vmem_shared>>) dst(%dma_wait3A_16 : memref<640x16xf32, #tpu.memory_space<hbm>>)
      tpu.yield
    }) : () -> ()
    return
  }
}

#map = affine_map<(d0, d1) -> (0)>
#map1 = affine_map<(d0, d1) -> (0, 0)>
#map2 = affine_map<(d0, d1) -> (0, 0, 0)>
module attributes {stable_mosaic.version = 14 : i64} {
  func.func @body(%arg0: i32, %arg1: i32, %arg2: memref<323584xi32, #tpu.memory_space<hbm>>, %arg3: memref<323584xi32, #tpu.memory_space<hbm>>, %arg4: memref<10240x64xf32, #tpu.memory_space<hbm>>, %arg5: memref<10240x64xf32, #tpu.memory_space<hbm>>, %arg6: memref<2x10240x64xf32, #tpu.memory_space<hbm>>, %arg7: memref<128xi32, #tpu.memory_space<vmem>>, %arg8: memref<128xi32, #tpu.memory_space<vmem>>, %arg9: memref<128x64xf32, #tpu.memory_space<vmem>>, %arg10: memref<10240x64xf32, #tpu.memory_space<vmem_shared>>, %arg11: memref<!tpu.dma_semaphore, #tpu.memory_space<semaphore_mem>>) attributes {dimension_semantics = [#tpu.dimension_semantics<core_parallel>, #tpu.dimension_semantics<subcore_parallel>], iteration_bounds = array<i64: 2, 16>, scalar_prefetch = 0 : i64, scratch_operands = 5 : i64, tpu.core_type = #tpu.core_type<sc_vector_subcore>, window_params = [{transform_indices = #map}, {transform_indices = #map}, {transform_indices = #map1}, {transform_indices = #map1}, {transform_indices = #map2}]} {
    %mul3A = arith.constant 16 : i32
    %mul3A_0 = arith.muli %arg0, %mul3A : i32
    %add3A = arith.addi %mul3A_0, %arg1 : i32
    %mul3A_1 = arith.constant 640 : i32
    %mul3A_2 = arith.muli %arg1, %mul3A_1 : i32
    "tpu.region"() ({
      %run_scoped3A = tpu.sem_alloc : memref<!tpu.dma_semaphore, #tpu.memory_space<semaphore_mem>>
      %dma_start3A = arith.constant 0 : i32
      %dma_start3A_11 = tpu.memref_slice %arg10[%mul3A_2, %dma_start3A] : memref<10240x64xf32, #tpu.memory_space<vmem_shared>> -> memref<640x64xf32, #tpu.memory_space<vmem_shared>>
      %dma_start3A_12 = arith.constant 0 : i32
      %dma_start3A_13 = tpu.memref_slice %arg5[%mul3A_2, %dma_start3A_12] : memref<10240x64xf32, #tpu.memory_space<hbm>> -> memref<640x64xf32, #tpu.memory_space<hbm>>
      tpu.enqueue_dma source(%dma_start3A_13 : memref<640x64xf32, #tpu.memory_space<hbm>>) target(%dma_start3A_11 : memref<640x64xf32, #tpu.memory_space<vmem_shared>>) target_semaphore(%run_scoped3A : memref<!tpu.dma_semaphore, #tpu.memory_space<semaphore_mem>>)
      %dma_wait3A = arith.constant 0 : i32
      %dma_wait3A_14 = tpu.memref_slice %arg10[%mul3A_2, %dma_wait3A] : memref<10240x64xf32, #tpu.memory_space<vmem_shared>> -> memref<640x64xf32, #tpu.memory_space<vmem_shared>>
      %dma_wait3A_15 = arith.constant 0 : i32
      %dma_wait3A_16 = tpu.memref_slice %arg5[%mul3A_2, %dma_wait3A_15] : memref<10240x64xf32, #tpu.memory_space<hbm>> -> memref<640x64xf32, #tpu.memory_space<hbm>>
      tpu.wait_dma2 semaphore(%run_scoped3A : memref<!tpu.dma_semaphore, #tpu.memory_space<semaphore_mem>>) src(%dma_wait3A_16 : memref<640x64xf32, #tpu.memory_space<hbm>>) dst(%dma_wait3A_14 : memref<640x64xf32, #tpu.memory_space<vmem_shared>>)
      tpu.yield
    }) : () -> ()
    %barrier3A = arith.constant 0 : index
    tpu.barrier barrier_id(%barrier3A)
    %mul3A_3 = arith.constant 10112 : i32
    %mul3A_4 = arith.muli %add3A, %mul3A_3 : i32
    %scan3A = arith.constant 0 : i32
    %scan3A_5 = arith.constant 0 : i32
    %scan3A_6 = arith.constant 79 : i32
    %scan3A_7 = arith.addi %scan3A_5, %scan3A_6 : i32
    %scan3A_8 = arith.constant 1 : i32
    scf.for %scan3A_11 = %scan3A_5 to %scan3A_7 step %scan3A_8  : i32 {
      %mul3A_12 = arith.constant 128 : i32
      %mul3A_13 = arith.muli %scan3A_11, %mul3A_12 : i32
      %add3A_14 = arith.addi %mul3A_4, %mul3A_13 : i32
      "tpu.region"() ({
        %run_scoped3A = tpu.sem_alloc : memref<!tpu.dma_semaphore, #tpu.memory_space<semaphore_mem>>
        %dma_start3A_19 = tpu.memref_slice %arg2[%add3A_14] : memref<323584xi32, #tpu.memory_space<hbm>> -> memref<128xi32, #tpu.memory_space<hbm>>
        %dma_start3A_20 = tpu.memref_slice %arg2[%add3A_14] : memref<323584xi32, #tpu.memory_space<hbm>> -> memref<128xi32, #tpu.memory_space<hbm>>
        tpu.enqueue_dma source(%dma_start3A_20 : memref<128xi32, #tpu.memory_space<hbm>>) target(%arg7 : memref<128xi32, #tpu.memory_space<vmem>>) target_semaphore(%run_scoped3A : memref<!tpu.dma_semaphore, #tpu.memory_space<semaphore_mem>>)
        %dma_wait3A_21 = tpu.memref_slice %arg2[%add3A_14] : memref<323584xi32, #tpu.memory_space<hbm>> -> memref<128xi32, #tpu.memory_space<hbm>>
        %dma_wait3A_22 = tpu.memref_slice %arg2[%add3A_14] : memref<323584xi32, #tpu.memory_space<hbm>> -> memref<128xi32, #tpu.memory_space<hbm>>
        tpu.wait_dma2 semaphore(%run_scoped3A : memref<!tpu.dma_semaphore, #tpu.memory_space<semaphore_mem>>) src(%dma_wait3A_22 : memref<128xi32, #tpu.memory_space<hbm>>) dst(%arg7 : memref<128xi32, #tpu.memory_space<vmem>>)
        tpu.yield
      }) : () -> ()
      "tpu.region"() ({
        %run_scoped3A = tpu.sem_alloc : memref<!tpu.dma_semaphore, #tpu.memory_space<semaphore_mem>>
        %dma_start3A_19 = tpu.memref_slice %arg3[%add3A_14] : memref<323584xi32, #tpu.memory_space<hbm>> -> memref<128xi32, #tpu.memory_space<hbm>>
        %dma_start3A_20 = tpu.memref_slice %arg3[%add3A_14] : memref<323584xi32, #tpu.memory_space<hbm>> -> memref<128xi32, #tpu.memory_space<hbm>>
        tpu.enqueue_dma source(%dma_start3A_20 : memref<128xi32, #tpu.memory_space<hbm>>) target(%arg8 : memref<128xi32, #tpu.memory_space<vmem>>) target_semaphore(%run_scoped3A : memref<!tpu.dma_semaphore, #tpu.memory_space<semaphore_mem>>)
        %dma_wait3A_21 = tpu.memref_slice %arg3[%add3A_14] : memref<323584xi32, #tpu.memory_space<hbm>> -> memref<128xi32, #tpu.memory_space<hbm>>
        %dma_wait3A_22 = tpu.memref_slice %arg3[%add3A_14] : memref<323584xi32, #tpu.memory_space<hbm>> -> memref<128xi32, #tpu.memory_space<hbm>>
        tpu.wait_dma2 semaphore(%run_scoped3A : memref<!tpu.dma_semaphore, #tpu.memory_space<semaphore_mem>>) src(%dma_wait3A_22 : memref<128xi32, #tpu.memory_space<hbm>>) dst(%arg8 : memref<128xi32, #tpu.memory_space<vmem>>)
        tpu.yield
      }) : () -> ()
      %dma_start3A = arith.constant 0 : i32
      %dma_start3A_15 = arith.constant 0 : i32
      %dma_start3A_16 = tpu.memref_slice %arg4[%dma_start3A, %dma_start3A_15] : memref<10240x64xf32, #tpu.memory_space<hbm>> -> memref<10240x64xf32, #tpu.memory_space<hbm>>
      tpu.enqueue_indirect_dma source(%dma_start3A_16 : memref<10240x64xf32, #tpu.memory_space<hbm>>) target(%arg9 : memref<128x64xf32, #tpu.memory_space<vmem>>) offsets(%arg7 : memref<128xi32, #tpu.memory_space<vmem>>) semaphore(%arg11 : memref<!tpu.dma_semaphore, #tpu.memory_space<semaphore_mem>>)
      %dma_wait3A = arith.constant 0 : i32
      %dma_wait3A_17 = arith.constant 0 : i32
      %dma_wait3A_18 = tpu.memref_slice %arg4[%dma_wait3A, %dma_wait3A_17] : memref<10240x64xf32, #tpu.memory_space<hbm>> -> memref<10240x64xf32, #tpu.memory_space<hbm>>
      tpu.wait_indirect_dma semaphore(%arg11 : memref<!tpu.dma_semaphore, #tpu.memory_space<semaphore_mem>>) src(%dma_wait3A_18 : memref<10240x64xf32, #tpu.memory_space<hbm>>) dst(%arg9 : memref<128x64xf32, #tpu.memory_space<vmem>>)
      "tpu.region"() ({
        %run_scoped3A = tpu.sem_alloc : memref<!tpu.dma_semaphore, #tpu.memory_space<semaphore_mem>>
        %dma_start3A_19 = arith.constant 0 : i32
        %dma_start3A_20 = arith.constant 0 : i32
        %dma_start3A_21 = tpu.memref_slice %arg10[%dma_start3A_19, %dma_start3A_20] : memref<10240x64xf32, #tpu.memory_space<vmem_shared>> -> memref<10240x64xf32, #tpu.memory_space<vmem_shared>>
        tpu.enqueue_indirect_dma source(%arg9 : memref<128x64xf32, #tpu.memory_space<vmem>>) target(%dma_start3A_21 : memref<10240x64xf32, #tpu.memory_space<vmem_shared>>) offsets(%arg8 : memref<128xi32, #tpu.memory_space<vmem>>) semaphore(%run_scoped3A : memref<!tpu.dma_semaphore, #tpu.memory_space<semaphore_mem>>) {add = true}
        %dma_wait3A_22 = arith.constant 0 : i32
        %dma_wait3A_23 = arith.constant 0 : i32
        %dma_wait3A_24 = tpu.memref_slice %arg10[%dma_wait3A_22, %dma_wait3A_23] : memref<10240x64xf32, #tpu.memory_space<vmem_shared>> -> memref<10240x64xf32, #tpu.memory_space<vmem_shared>>
        tpu.wait_indirect_dma semaphore(%run_scoped3A : memref<!tpu.dma_semaphore, #tpu.memory_space<semaphore_mem>>) src(%arg9 : memref<128x64xf32, #tpu.memory_space<vmem>>) dst(%dma_wait3A_24 : memref<10240x64xf32, #tpu.memory_space<vmem_shared>>)
        tpu.yield
      }) : () -> ()
    }
    %scan3A_9 = arith.constant 79 : i32
    %barrier3A_10 = arith.constant 0 : index
    tpu.barrier barrier_id(%barrier3A_10)
    "tpu.region"() ({
      %run_scoped3A = tpu.sem_alloc : memref<!tpu.dma_semaphore, #tpu.memory_space<semaphore_mem>>
      %dma_start3A = arith.constant 0 : i32
      %dma_start3A_11 = tpu.memref_slice %arg6[%arg0, %mul3A_2, %dma_start3A] : memref<2x10240x64xf32, #tpu.memory_space<hbm>> -> memref<1x640x64xf32, #tpu.memory_space<hbm>>
      %dma_start3A_12 = tpu.memref_squeeze %dma_start3A_11 : memref<1x640x64xf32, #tpu.memory_space<hbm>> -> memref<640x64xf32, #tpu.memory_space<hbm>>
      %dma_start3A_13 = arith.constant 0 : i32
      %dma_start3A_14 = tpu.memref_slice %arg10[%mul3A_2, %dma_start3A_13] : memref<10240x64xf32, #tpu.memory_space<vmem_shared>> -> memref<640x64xf32, #tpu.memory_space<vmem_shared>>
      tpu.enqueue_dma source(%dma_start3A_14 : memref<640x64xf32, #tpu.memory_space<vmem_shared>>) target(%dma_start3A_12 : memref<640x64xf32, #tpu.memory_space<hbm>>) target_semaphore(%run_scoped3A : memref<!tpu.dma_semaphore, #tpu.memory_space<semaphore_mem>>)
      %dma_wait3A = arith.constant 0 : i32
      %dma_wait3A_15 = tpu.memref_slice %arg6[%arg0, %mul3A_2, %dma_wait3A] : memref<2x10240x64xf32, #tpu.memory_space<hbm>> -> memref<1x640x64xf32, #tpu.memory_space<hbm>>
      %dma_wait3A_16 = tpu.memref_squeeze %dma_wait3A_15 : memref<1x640x64xf32, #tpu.memory_space<hbm>> -> memref<640x64xf32, #tpu.memory_space<hbm>>
      %dma_wait3A_17 = arith.constant 0 : i32
      %dma_wait3A_18 = tpu.memref_slice %arg10[%mul3A_2, %dma_wait3A_17] : memref<10240x64xf32, #tpu.memory_space<vmem_shared>> -> memref<640x64xf32, #tpu.memory_space<vmem_shared>>
      tpu.wait_dma2 semaphore(%run_scoped3A : memref<!tpu.dma_semaphore, #tpu.memory_space<semaphore_mem>>) src(%dma_wait3A_18 : memref<640x64xf32, #tpu.memory_space<vmem_shared>>) dst(%dma_wait3A_16 : memref<640x64xf32, #tpu.memory_space<hbm>>)
      tpu.yield
    }) : () -> ()
    return
  }
}

#map = affine_map<(d0, d1) -> (0)>
#map1 = affine_map<(d0, d1) -> (0, 0)>
#map2 = affine_map<(d0, d1) -> (0, 0, 0)>
module attributes {stable_mosaic.version = 14 : i64} {
  func.func @body(%arg0: i32, %arg1: i32, %arg2: memref<323584xi32, #tpu.memory_space<hbm>>, %arg3: memref<323584xi32, #tpu.memory_space<hbm>>, %arg4: memref<10240x16xf32, #tpu.memory_space<hbm>>, %arg5: memref<10240x16xf32, #tpu.memory_space<hbm>>, %arg6: memref<2x10240x16xf32, #tpu.memory_space<hbm>>, %arg7: memref<128xi32, #tpu.memory_space<vmem>>, %arg8: memref<128xi32, #tpu.memory_space<vmem>>, %arg9: memref<128x16xf32, #tpu.memory_space<vmem>>, %arg10: memref<10240x16xf32, #tpu.memory_space<vmem_shared>>, %arg11: memref<!tpu.dma_semaphore, #tpu.memory_space<semaphore_mem>>) attributes {dimension_semantics = [#tpu.dimension_semantics<core_parallel>, #tpu.dimension_semantics<subcore_parallel>], iteration_bounds = array<i64: 2, 16>, scalar_prefetch = 0 : i64, scratch_operands = 5 : i64, tpu.core_type = #tpu.core_type<sc_vector_subcore>, window_params = [{transform_indices = #map}, {transform_indices = #map}, {transform_indices = #map1}, {transform_indices = #map1}, {transform_indices = #map2}]} {
    %mul3A = arith.constant 16 : i32
    %mul3A_0 = arith.muli %arg0, %mul3A : i32
    %add3A = arith.addi %mul3A_0, %arg1 : i32
    %mul3A_1 = arith.constant 640 : i32
    %mul3A_2 = arith.muli %arg1, %mul3A_1 : i32
    "tpu.region"() ({
      %run_scoped3A = tpu.sem_alloc : memref<!tpu.dma_semaphore, #tpu.memory_space<semaphore_mem>>
      %dma_start3A = arith.constant 0 : i32
      %dma_start3A_11 = tpu.memref_slice %arg10[%mul3A_2, %dma_start3A] : memref<10240x16xf32, #tpu.memory_space<vmem_shared>> -> memref<640x16xf32, #tpu.memory_space<vmem_shared>>
      %dma_start3A_12 = arith.constant 0 : i32
      %dma_start3A_13 = tpu.memref_slice %arg5[%mul3A_2, %dma_start3A_12] : memref<10240x16xf32, #tpu.memory_space<hbm>> -> memref<640x16xf32, #tpu.memory_space<hbm>>
      tpu.enqueue_dma source(%dma_start3A_13 : memref<640x16xf32, #tpu.memory_space<hbm>>) target(%dma_start3A_11 : memref<640x16xf32, #tpu.memory_space<vmem_shared>>) target_semaphore(%run_scoped3A : memref<!tpu.dma_semaphore, #tpu.memory_space<semaphore_mem>>)
      %dma_wait3A = arith.constant 0 : i32
      %dma_wait3A_14 = tpu.memref_slice %arg10[%mul3A_2, %dma_wait3A] : memref<10240x16xf32, #tpu.memory_space<vmem_shared>> -> memref<640x16xf32, #tpu.memory_space<vmem_shared>>
      %dma_wait3A_15 = arith.constant 0 : i32
      %dma_wait3A_16 = tpu.memref_slice %arg5[%mul3A_2, %dma_wait3A_15] : memref<10240x16xf32, #tpu.memory_space<hbm>> -> memref<640x16xf32, #tpu.memory_space<hbm>>
      tpu.wait_dma2 semaphore(%run_scoped3A : memref<!tpu.dma_semaphore, #tpu.memory_space<semaphore_mem>>) src(%dma_wait3A_16 : memref<640x16xf32, #tpu.memory_space<hbm>>) dst(%dma_wait3A_14 : memref<640x16xf32, #tpu.memory_space<vmem_shared>>)
      tpu.yield
    }) : () -> ()
    %barrier3A = arith.constant 0 : index
    tpu.barrier barrier_id(%barrier3A)
    %mul3A_3 = arith.constant 10112 : i32
    %mul3A_4 = arith.muli %add3A, %mul3A_3 : i32
    %scan3A = arith.constant 0 : i32
    %scan3A_5 = arith.constant 0 : i32
    %scan3A_6 = arith.constant 79 : i32
    %scan3A_7 = arith.addi %scan3A_5, %scan3A_6 : i32
    %scan3A_8 = arith.constant 1 : i32
    scf.for %scan3A_11 = %scan3A_5 to %scan3A_7 step %scan3A_8  : i32 {
      %mul3A_12 = arith.constant 128 : i32
      %mul3A_13 = arith.muli %scan3A_11, %mul3A_12 : i32
      %add3A_14 = arith.addi %mul3A_4, %mul3A_13 : i32
      "tpu.region"() ({
        %run_scoped3A = tpu.sem_alloc : memref<!tpu.dma_semaphore, #tpu.memory_space<semaphore_mem>>
        %dma_start3A_19 = tpu.memref_slice %arg2[%add3A_14] : memref<323584xi32, #tpu.memory_space<hbm>> -> memref<128xi32, #tpu.memory_space<hbm>>
        %dma_start3A_20 = tpu.memref_slice %arg2[%add3A_14] : memref<323584xi32, #tpu.memory_space<hbm>> -> memref<128xi32, #tpu.memory_space<hbm>>
        tpu.enqueue_dma source(%dma_start3A_20 : memref<128xi32, #tpu.memory_space<hbm>>) target(%arg7 : memref<128xi32, #tpu.memory_space<vmem>>) target_semaphore(%run_scoped3A : memref<!tpu.dma_semaphore, #tpu.memory_space<semaphore_mem>>)
        %dma_wait3A_21 = tpu.memref_slice %arg2[%add3A_14] : memref<323584xi32, #tpu.memory_space<hbm>> -> memref<128xi32, #tpu.memory_space<hbm>>
        %dma_wait3A_22 = tpu.memref_slice %arg2[%add3A_14] : memref<323584xi32, #tpu.memory_space<hbm>> -> memref<128xi32, #tpu.memory_space<hbm>>
        tpu.wait_dma2 semaphore(%run_scoped3A : memref<!tpu.dma_semaphore, #tpu.memory_space<semaphore_mem>>) src(%dma_wait3A_22 : memref<128xi32, #tpu.memory_space<hbm>>) dst(%arg7 : memref<128xi32, #tpu.memory_space<vmem>>)
        tpu.yield
      }) : () -> ()
      "tpu.region"() ({
        %run_scoped3A = tpu.sem_alloc : memref<!tpu.dma_semaphore, #tpu.memory_space<semaphore_mem>>
        %dma_start3A_19 = tpu.memref_slice %arg3[%add3A_14] : memref<323584xi32, #tpu.memory_space<hbm>> -> memref<128xi32, #tpu.memory_space<hbm>>
        %dma_start3A_20 = tpu.memref_slice %arg3[%add3A_14] : memref<323584xi32, #tpu.memory_space<hbm>> -> memref<128xi32, #tpu.memory_space<hbm>>
        tpu.enqueue_dma source(%dma_start3A_20 : memref<128xi32, #tpu.memory_space<hbm>>) target(%arg8 : memref<128xi32, #tpu.memory_space<vmem>>) target_semaphore(%run_scoped3A : memref<!tpu.dma_semaphore, #tpu.memory_space<semaphore_mem>>)
        %dma_wait3A_21 = tpu.memref_slice %arg3[%add3A_14] : memref<323584xi32, #tpu.memory_space<hbm>> -> memref<128xi32, #tpu.memory_space<hbm>>
        %dma_wait3A_22 = tpu.memref_slice %arg3[%add3A_14] : memref<323584xi32, #tpu.memory_space<hbm>> -> memref<128xi32, #tpu.memory_space<hbm>>
        tpu.wait_dma2 semaphore(%run_scoped3A : memref<!tpu.dma_semaphore, #tpu.memory_space<semaphore_mem>>) src(%dma_wait3A_22 : memref<128xi32, #tpu.memory_space<hbm>>) dst(%arg8 : memref<128xi32, #tpu.memory_space<vmem>>)
        tpu.yield
      }) : () -> ()
      %dma_start3A = arith.constant 0 : i32
      %dma_start3A_15 = arith.constant 0 : i32
      %dma_start3A_16 = tpu.memref_slice %arg4[%dma_start3A, %dma_start3A_15] : memref<10240x16xf32, #tpu.memory_space<hbm>> -> memref<10240x16xf32, #tpu.memory_space<hbm>>
      tpu.enqueue_indirect_dma source(%dma_start3A_16 : memref<10240x16xf32, #tpu.memory_space<hbm>>) target(%arg9 : memref<128x16xf32, #tpu.memory_space<vmem>>) offsets(%arg7 : memref<128xi32, #tpu.memory_space<vmem>>) semaphore(%arg11 : memref<!tpu.dma_semaphore, #tpu.memory_space<semaphore_mem>>)
      %dma_wait3A = arith.constant 0 : i32
      %dma_wait3A_17 = arith.constant 0 : i32
      %dma_wait3A_18 = tpu.memref_slice %arg4[%dma_wait3A, %dma_wait3A_17] : memref<10240x16xf32, #tpu.memory_space<hbm>> -> memref<10240x16xf32, #tpu.memory_space<hbm>>
      tpu.wait_indirect_dma semaphore(%arg11 : memref<!tpu.dma_semaphore, #tpu.memory_space<semaphore_mem>>) src(%dma_wait3A_18 : memref<10240x16xf32, #tpu.memory_space<hbm>>) dst(%arg9 : memref<128x16xf32, #tpu.memory_space<vmem>>)
      "tpu.region"() ({
        %run_scoped3A = tpu.sem_alloc : memref<!tpu.dma_semaphore, #tpu.memory_space<semaphore_mem>>
        %dma_start3A_19 = arith.constant 0 : i32
        %dma_start3A_20 = arith.constant 0 : i32
        %dma_start3A_21 = tpu.memref_slice %arg10[%dma_start3A_19, %dma_start3A_20] : memref<10240x16xf32, #tpu.memory_space<vmem_shared>> -> memref<10240x16xf32, #tpu.memory_space<vmem_shared>>
        tpu.enqueue_indirect_dma source(%arg9 : memref<128x16xf32, #tpu.memory_space<vmem>>) target(%dma_start3A_21 : memref<10240x16xf32, #tpu.memory_space<vmem_shared>>) offsets(%arg8 : memref<128xi32, #tpu.memory_space<vmem>>) semaphore(%run_scoped3A : memref<!tpu.dma_semaphore, #tpu.memory_space<semaphore_mem>>) {add = true}
        %dma_wait3A_22 = arith.constant 0 : i32
        %dma_wait3A_23 = arith.constant 0 : i32
        %dma_wait3A_24 = tpu.memref_slice %arg10[%dma_wait3A_22, %dma_wait3A_23] : memref<10240x16xf32, #tpu.memory_space<vmem_shared>> -> memref<10240x16xf32, #tpu.memory_space<vmem_shared>>
        tpu.wait_indirect_dma semaphore(%run_scoped3A : memref<!tpu.dma_semaphore, #tpu.memory_space<semaphore_mem>>) src(%arg9 : memref<128x16xf32, #tpu.memory_space<vmem>>) dst(%dma_wait3A_24 : memref<10240x16xf32, #tpu.memory_space<vmem_shared>>)
        tpu.yield
      }) : () -> ()
    }
    %scan3A_9 = arith.constant 79 : i32
    %barrier3A_10 = arith.constant 0 : index
    tpu.barrier barrier_id(%barrier3A_10)
    "tpu.region"() ({
      %run_scoped3A = tpu.sem_alloc : memref<!tpu.dma_semaphore, #tpu.memory_space<semaphore_mem>>
      %dma_start3A = arith.constant 0 : i32
      %dma_start3A_11 = tpu.memref_slice %arg6[%arg0, %mul3A_2, %dma_start3A] : memref<2x10240x16xf32, #tpu.memory_space<hbm>> -> memref<1x640x16xf32, #tpu.memory_space<hbm>>
      %dma_start3A_12 = tpu.memref_squeeze %dma_start3A_11 : memref<1x640x16xf32, #tpu.memory_space<hbm>> -> memref<640x16xf32, #tpu.memory_space<hbm>>
      %dma_start3A_13 = arith.constant 0 : i32
      %dma_start3A_14 = tpu.memref_slice %arg10[%mul3A_2, %dma_start3A_13] : memref<10240x16xf32, #tpu.memory_space<vmem_shared>> -> memref<640x16xf32, #tpu.memory_space<vmem_shared>>
      tpu.enqueue_dma source(%dma_start3A_14 : memref<640x16xf32, #tpu.memory_space<vmem_shared>>) target(%dma_start3A_12 : memref<640x16xf32, #tpu.memory_space<hbm>>) target_semaphore(%run_scoped3A : memref<!tpu.dma_semaphore, #tpu.memory_space<semaphore_mem>>)
      %dma_wait3A = arith.constant 0 : i32
      %dma_wait3A_15 = tpu.memref_slice %arg6[%arg0, %mul3A_2, %dma_wait3A] : memref<2x10240x16xf32, #tpu.memory_space<hbm>> -> memref<1x640x16xf32, #tpu.memory_space<hbm>>
      %dma_wait3A_16 = tpu.memref_squeeze %dma_wait3A_15 : memref<1x640x16xf32, #tpu.memory_space<hbm>> -> memref<640x16xf32, #tpu.memory_space<hbm>>
      %dma_wait3A_17 = arith.constant 0 : i32
      %dma_wait3A_18 = tpu.memref_slice %arg10[%mul3A_2, %dma_wait3A_17] : memref<10240x16xf32, #tpu.memory_space<vmem_shared>> -> memref<640x16xf32, #tpu.memory_space<vmem_shared>>
      tpu.wait_dma2 semaphore(%run_scoped3A : memref<!tpu.dma_semaphore, #tpu.memory_space<semaphore_mem>>) src(%dma_wait3A_18 : memref<640x16xf32, #tpu.memory_space<vmem_shared>>) dst(%dma_wait3A_16 : memref<640x16xf32, #tpu.memory_space<hbm>>)
      tpu.yield
    }) : () -> ()
    return
  }
}

module attributes {stable_mosaic.version = 14 : i64} {
  func.func @body(%arg0: i32, %arg1: memref<1024x1xf32, #tpu.memory_space<vmem>>, %arg2: memref<1024x1xf32, #tpu.memory_space<vmem>>, %arg3: memref<1024x128xf32, #tpu.memory_space<vmem>>, %arg4: memref<128x64xf32, #tpu.memory_space<vmem>>, %arg5: memref<1024x1xf32, #tpu.memory_space<vmem>>, %arg6: memref<1024x64xf32, #tpu.memory_space<vmem>>) attributes {dimension_semantics = [#tpu.dimension_semantics<arbitrary>], iteration_bounds = array<i64: 10>, scalar_prefetch = 0 : i64, scratch_operands = 0 : i64, tpu.core_type = #tpu.core_type<tc>, window_params = [{transform_indices = @transform_0, window_bounds = array<i64: 1024, 1>}, {transform_indices = @transform_1, window_bounds = array<i64: 1024, 1>}, {transform_indices = @transform_2, window_bounds = array<i64: 1024, 128>}, {pipeline_mode = #tpu.pipeline_mode<synchronous>, transform_indices = @transform_3, window_bounds = array<i64: 128, 64>}, {transform_indices = @transform_4, window_bounds = array<i64: 1024, 1>}, {transform_indices = @transform_5, window_bounds = array<i64: 1024, 64>}]} {
    %get3A = arith.constant 0 : index
    %get3A_0 = arith.constant 0 : index
    %get3A_1 = vector.load %arg1[%get3A, %get3A_0] : memref<1024x1xf32, #tpu.memory_space<vmem>>, vector<1024x1xf32>
    %get3A_2 = arith.constant 0 : index
    %get3A_3 = arith.constant 0 : index
    %get3A_4 = vector.load %arg2[%get3A_2, %get3A_3] : memref<1024x1xf32, #tpu.memory_space<vmem>>, vector<1024x1xf32>
    %add3A = arith.addf %get3A_1, %get3A_4 : vector<1024x1xf32>
    %add3A_5 = arith.constant 1.000000e+00 : f32
    %add3A_6 = vector.broadcast %add3A_5 : f32 to vector<1024x1xf32>
    %add3A_7 = arith.addf %add3A, %add3A_6 : vector<1024x1xf32>
    %rsqrt3A = math.rsqrt %add3A_7 : vector<1024x1xf32>
    %get3A_8 = arith.constant 0 : index
    %get3A_9 = arith.constant 0 : index
    %get3A_10 = vector.load %arg3[%get3A_8, %get3A_9] : memref<1024x128xf32, #tpu.memory_space<vmem>>, vector<1024x128xf32>
    %get3A_11 = arith.constant 0 : index
    %get3A_12 = arith.constant 0 : index
    %get3A_13 = vector.load %arg4[%get3A_11, %get3A_12] : memref<128x64xf32, #tpu.memory_space<vmem>>, vector<128x64xf32>
    %dot_general3A = arith.constant dense<0.000000e+00> : vector<1024x64xf32>
    %dot_general3A_14 = tpu.matmul %get3A_10, %get3A_13, %dot_general3A {dimension_numbers = #tpu.dot_dimension_numbers<[1], [0], [0], [1], [0, 0, 1, 1], [], []>, transpose_lhs_hint = false} : vector<1024x128xf32>, vector<128x64xf32>, vector<1024x64xf32> -> vector<1024x64xf32>
    %swap3A = arith.constant 0 : index
    %swap3A_15 = arith.constant 0 : index
    %swap3A_16 = vector.load %arg5[%swap3A, %swap3A_15] : memref<1024x1xf32, #tpu.memory_space<vmem>>, vector<1024x1xf32>
    tpu.vector_store %arg5[%swap3A, %swap3A_15], %rsqrt3A {strides = array<i32>} : memref<1024x1xf32, #tpu.memory_space<vmem>>, vector<1024x1xf32>,
    %mul3A = vector.broadcast %rsqrt3A : vector<1024x1xf32> to vector<1024x64xf32>
    %mul3A_17 = arith.mulf %mul3A, %dot_general3A_14 : vector<1024x64xf32>
    %swap3A_18 = arith.constant 0 : index
    %swap3A_19 = arith.constant 0 : index
    %swap3A_20 = vector.load %arg6[%swap3A_18, %swap3A_19] : memref<1024x64xf32, #tpu.memory_space<vmem>>, vector<1024x64xf32>
    tpu.vector_store %arg6[%swap3A_18, %swap3A_19], %mul3A_17 {strides = array<i32>} : memref<1024x64xf32, #tpu.memory_space<vmem>>, vector<1024x64xf32>,
    return
  }
  func.func @transform_0(%arg0: i32) -> (i32, i32) {
    %c0_i32 = arith.constant 0 : i32
    %c0_i32_0 = arith.constant 0 : i32
    return %arg0, %c0_i32 : i32, i32
  }
  func.func @transform_1(%arg0: i32) -> (i32, i32) {
    %c0_i32 = arith.constant 0 : i32
    %c0_i32_0 = arith.constant 0 : i32
    return %arg0, %c0_i32 : i32, i32
  }
  func.func @transform_2(%arg0: i32) -> (i32, i32) {
    %c0_i32 = arith.constant 0 : i32
    %c0_i32_0 = arith.constant 0 : i32
    return %arg0, %c0_i32 : i32, i32
  }
  func.func @transform_3(%arg0: i32) -> (i32, i32) {
    %c0_i32 = arith.constant 0 : i32
    %c0_i32_0 = arith.constant 0 : i32
    %c0_i32_1 = arith.constant 0 : i32
    return %c0_i32, %c0_i32_0 : i32, i32
  }
  func.func @transform_4(%arg0: i32) -> (i32, i32) {
    %c0_i32 = arith.constant 0 : i32
    %c0_i32_0 = arith.constant 0 : i32
    return %arg0, %c0_i32 : i32, i32
  }
  func.func @transform_5(%arg0: i32) -> (i32, i32) {
    %c0_i32 = arith.constant 0 : i32
    %c0_i32_0 = arith.constant 0 : i32
    return %arg0, %c0_i32 : i32, i32
  }
}

module attributes {stable_mosaic.version = 14 : i64} {
  func.func @body(%arg0: i32, %arg1: memref<1024x64xf32, #tpu.memory_space<vmem>>, %arg2: memref<1024x64xf32, #tpu.memory_space<vmem>>, %arg3: memref<1024x64xf32, #tpu.memory_space<vmem>>, %arg4: memref<1024x1xf32, #tpu.memory_space<vmem>>, %arg5: memref<1x64xf32, #tpu.memory_space<vmem>>, %arg6: memref<64x64xf32, #tpu.memory_space<vmem>>, %arg7: memref<1024x64xf32, #tpu.memory_space<vmem>>) attributes {dimension_semantics = [#tpu.dimension_semantics<arbitrary>], iteration_bounds = array<i64: 10>, scalar_prefetch = 0 : i64, scratch_operands = 0 : i64, tpu.core_type = #tpu.core_type<tc>, window_params = [{transform_indices = @transform_0, window_bounds = array<i64: 1024, 64>}, {transform_indices = @transform_1, window_bounds = array<i64: 1024, 64>}, {transform_indices = @transform_2, window_bounds = array<i64: 1024, 64>}, {transform_indices = @transform_3, window_bounds = array<i64: 1024, 1>}, {pipeline_mode = #tpu.pipeline_mode<synchronous>, transform_indices = @transform_4, window_bounds = array<i64: 1, 64>}, {pipeline_mode = #tpu.pipeline_mode<synchronous>, transform_indices = @transform_5, window_bounds = array<i64: 64, 64>}, {transform_indices = @transform_6, window_bounds = array<i64: 1024, 64>}]} {
    %get3A = arith.constant 0 : index
    %get3A_0 = arith.constant 0 : index
    %get3A_1 = vector.load %arg4[%get3A, %get3A_0] : memref<1024x1xf32, #tpu.memory_space<vmem>>, vector<1024x1xf32>
    %get3A_2 = arith.constant 0 : index
    %get3A_3 = arith.constant 0 : index
    %get3A_4 = vector.load %arg1[%get3A_2, %get3A_3] : memref<1024x64xf32, #tpu.memory_space<vmem>>, vector<1024x64xf32>
    %get3A_5 = arith.constant 0 : index
    %get3A_6 = arith.constant 0 : index
    %get3A_7 = vector.load %arg2[%get3A_5, %get3A_6] : memref<1024x64xf32, #tpu.memory_space<vmem>>, vector<1024x64xf32>
    %add3A = arith.addf %get3A_4, %get3A_7 : vector<1024x64xf32>
    %get3A_8 = arith.constant 0 : index
    %get3A_9 = arith.constant 0 : index
    %get3A_10 = vector.load %arg3[%get3A_8, %get3A_9] : memref<1024x64xf32, #tpu.memory_space<vmem>>, vector<1024x64xf32>
    %add3A_11 = arith.addf %add3A, %get3A_10 : vector<1024x64xf32>
    %mul3A = vector.broadcast %get3A_1 : vector<1024x1xf32> to vector<1024x64xf32>
    %mul3A_12 = arith.mulf %mul3A, %add3A_11 : vector<1024x64xf32>
    %get3A_13 = arith.constant 0 : index
    %get3A_14 = arith.constant 0 : index
    %get3A_15 = vector.load %arg5[%get3A_13, %get3A_14] : memref<1x64xf32, #tpu.memory_space<vmem>>, vector<1x64xf32>
    %add3A_16 = vector.broadcast %get3A_15 : vector<1x64xf32> to vector<1024x64xf32>
    %add3A_17 = arith.addf %mul3A_12, %add3A_16 : vector<1024x64xf32>
    %max3A = arith.constant 0.000000e+00 : f32
    %max3A_18 = vector.broadcast %max3A : f32 to vector<1024x64xf32>
    %max3A_19 = arith.maximumf %add3A_17, %max3A_18 : vector<1024x64xf32>
    %get3A_20 = arith.constant 0 : index
    %get3A_21 = arith.constant 0 : index
    %get3A_22 = vector.load %arg6[%get3A_20, %get3A_21] : memref<64x64xf32, #tpu.memory_space<vmem>>, vector<64x64xf32>
    %dot_general3A = arith.constant dense<0.000000e+00> : vector<1024x64xf32>
    %dot_general3A_23 = tpu.matmul %max3A_19, %get3A_22, %dot_general3A {dimension_numbers = #tpu.dot_dimension_numbers<[1], [0], [0], [1], [0, 0, 1, 1], [], []>, transpose_lhs_hint = false} : vector<1024x64xf32>, vector<64x64xf32>, vector<1024x64xf32> -> vector<1024x64xf32>
    %mul3A_24 = vector.broadcast %get3A_1 : vector<1024x1xf32> to vector<1024x64xf32>
    %mul3A_25 = arith.mulf %mul3A_24, %dot_general3A_23 : vector<1024x64xf32>
    %swap3A = arith.constant 0 : index
    %swap3A_26 = arith.constant 0 : index
    %swap3A_27 = vector.load %arg7[%swap3A, %swap3A_26] : memref<1024x64xf32, #tpu.memory_space<vmem>>, vector<1024x64xf32>
    tpu.vector_store %arg7[%swap3A, %swap3A_26], %mul3A_25 {strides = array<i32>} : memref<1024x64xf32, #tpu.memory_space<vmem>>, vector<1024x64xf32>,
    return
  }
  func.func @transform_0(%arg0: i32) -> (i32, i32) {
    %c0_i32 = arith.constant 0 : i32
    %c0_i32_0 = arith.constant 0 : i32
    return %arg0, %c0_i32 : i32, i32
  }
  func.func @transform_1(%arg0: i32) -> (i32, i32) {
    %c0_i32 = arith.constant 0 : i32
    %c0_i32_0 = arith.constant 0 : i32
    return %arg0, %c0_i32 : i32, i32
  }
  func.func @transform_2(%arg0: i32) -> (i32, i32) {
    %c0_i32 = arith.constant 0 : i32
    %c0_i32_0 = arith.constant 0 : i32
    return %arg0, %c0_i32 : i32, i32
  }
  func.func @transform_3(%arg0: i32) -> (i32, i32) {
    %c0_i32 = arith.constant 0 : i32
    %c0_i32_0 = arith.constant 0 : i32
    return %arg0, %c0_i32 : i32, i32
  }
  func.func @transform_4(%arg0: i32) -> (i32, i32) {
    %c0_i32 = arith.constant 0 : i32
    %c0_i32_0 = arith.constant 0 : i32
    %c0_i32_1 = arith.constant 0 : i32
    return %c0_i32, %c0_i32_0 : i32, i32
  }
  func.func @transform_5(%arg0: i32) -> (i32, i32) {
    %c0_i32 = arith.constant 0 : i32
    %c0_i32_0 = arith.constant 0 : i32
    %c0_i32_1 = arith.constant 0 : i32
    return %c0_i32, %c0_i32_0 : i32, i32
  }
  func.func @transform_6(%arg0: i32) -> (i32, i32) {
    %c0_i32 = arith.constant 0 : i32
    %c0_i32_0 = arith.constant 0 : i32
    return %arg0, %c0_i32 : i32, i32
  }
}

module attributes {stable_mosaic.version = 14 : i64} {
  func.func @body(%arg0: i32, %arg1: memref<1024x64xf32, #tpu.memory_space<vmem>>, %arg2: memref<1024x64xf32, #tpu.memory_space<vmem>>, %arg3: memref<1024x64xf32, #tpu.memory_space<vmem>>, %arg4: memref<1024x1xf32, #tpu.memory_space<vmem>>, %arg5: memref<1x64xf32, #tpu.memory_space<vmem>>, %arg6: memref<64x1xf32, #tpu.memory_space<vmem>>, %arg7: memref<1024x1xf32, #tpu.memory_space<vmem>>) attributes {dimension_semantics = [#tpu.dimension_semantics<arbitrary>], iteration_bounds = array<i64: 10>, scalar_prefetch = 0 : i64, scratch_operands = 0 : i64, tpu.core_type = #tpu.core_type<tc>, window_params = [{transform_indices = @transform_0, window_bounds = array<i64: 1024, 64>}, {transform_indices = @transform_1, window_bounds = array<i64: 1024, 64>}, {transform_indices = @transform_2, window_bounds = array<i64: 1024, 64>}, {transform_indices = @transform_3, window_bounds = array<i64: 1024, 1>}, {pipeline_mode = #tpu.pipeline_mode<synchronous>, transform_indices = @transform_4, window_bounds = array<i64: 1, 64>}, {pipeline_mode = #tpu.pipeline_mode<synchronous>, transform_indices = @transform_5, window_bounds = array<i64: 64, 1>}, {transform_indices = @transform_6, window_bounds = array<i64: 1024, 1>}]} {
    %get3A = arith.constant 0 : index
    %get3A_0 = arith.constant 0 : index
    %get3A_1 = vector.load %arg4[%get3A, %get3A_0] : memref<1024x1xf32, #tpu.memory_space<vmem>>, vector<1024x1xf32>
    %get3A_2 = arith.constant 0 : index
    %get3A_3 = arith.constant 0 : index
    %get3A_4 = vector.load %arg1[%get3A_2, %get3A_3] : memref<1024x64xf32, #tpu.memory_space<vmem>>, vector<1024x64xf32>
    %get3A_5 = arith.constant 0 : index
    %get3A_6 = arith.constant 0 : index
    %get3A_7 = vector.load %arg2[%get3A_5, %get3A_6] : memref<1024x64xf32, #tpu.memory_space<vmem>>, vector<1024x64xf32>
    %add3A = arith.addf %get3A_4, %get3A_7 : vector<1024x64xf32>
    %get3A_8 = arith.constant 0 : index
    %get3A_9 = arith.constant 0 : index
    %get3A_10 = vector.load %arg3[%get3A_8, %get3A_9] : memref<1024x64xf32, #tpu.memory_space<vmem>>, vector<1024x64xf32>
    %add3A_11 = arith.addf %add3A, %get3A_10 : vector<1024x64xf32>
    %mul3A = vector.broadcast %get3A_1 : vector<1024x1xf32> to vector<1024x64xf32>
    %mul3A_12 = arith.mulf %mul3A, %add3A_11 : vector<1024x64xf32>
    %get3A_13 = arith.constant 0 : index
    %get3A_14 = arith.constant 0 : index
    %get3A_15 = vector.load %arg5[%get3A_13, %get3A_14] : memref<1x64xf32, #tpu.memory_space<vmem>>, vector<1x64xf32>
    %add3A_16 = vector.broadcast %get3A_15 : vector<1x64xf32> to vector<1024x64xf32>
    %add3A_17 = arith.addf %mul3A_12, %add3A_16 : vector<1024x64xf32>
    %max3A = arith.constant 0.000000e+00 : f32
    %max3A_18 = vector.broadcast %max3A : f32 to vector<1024x64xf32>
    %max3A_19 = arith.maximumf %add3A_17, %max3A_18 : vector<1024x64xf32>
    %get3A_20 = arith.constant 0 : index
    %get3A_21 = arith.constant 0 : index
    %get3A_22 = vector.load %arg6[%get3A_20, %get3A_21] : memref<64x1xf32, #tpu.memory_space<vmem>>, vector<64x1xf32>
    %dot_general3A = arith.constant dense<0.000000e+00> : vector<1024x1xf32>
    %dot_general3A_23 = tpu.matmul %max3A_19, %get3A_22, %dot_general3A {dimension_numbers = #tpu.dot_dimension_numbers<[1], [0], [0], [1], [0, 0, 1, 1], [], []>, transpose_lhs_hint = false} : vector<1024x64xf32>, vector<64x1xf32>, vector<1024x1xf32> -> vector<1024x1xf32>
    %mul3A_24 = arith.mulf %get3A_1, %dot_general3A_23 : vector<1024x1xf32>
    %swap3A = arith.constant 0 : index
    %swap3A_25 = arith.constant 0 : index
    %swap3A_26 = vector.load %arg7[%swap3A, %swap3A_25] : memref<1024x1xf32, #tpu.memory_space<vmem>>, vector<1024x1xf32>
    tpu.vector_store %arg7[%swap3A, %swap3A_25], %mul3A_24 {strides = array<i32>} : memref<1024x1xf32, #tpu.memory_space<vmem>>, vector<1024x1xf32>,
    return
  }
  func.func @transform_0(%arg0: i32) -> (i32, i32) {
    %c0_i32 = arith.constant 0 : i32
    %c0_i32_0 = arith.constant 0 : i32
    return %arg0, %c0_i32 : i32, i32
  }
  func.func @transform_1(%arg0: i32) -> (i32, i32) {
    %c0_i32 = arith.constant 0 : i32
    %c0_i32_0 = arith.constant 0 : i32
    return %arg0, %c0_i32 : i32, i32
  }
  func.func @transform_2(%arg0: i32) -> (i32, i32) {
    %c0_i32 = arith.constant 0 : i32
    %c0_i32_0 = arith.constant 0 : i32
    return %arg0, %c0_i32 : i32, i32
  }
  func.func @transform_3(%arg0: i32) -> (i32, i32) {
    %c0_i32 = arith.constant 0 : i32
    %c0_i32_0 = arith.constant 0 : i32
    return %arg0, %c0_i32 : i32, i32
  }
  func.func @transform_4(%arg0: i32) -> (i32, i32) {
    %c0_i32 = arith.constant 0 : i32
    %c0_i32_0 = arith.constant 0 : i32
    %c0_i32_1 = arith.constant 0 : i32
    return %c0_i32, %c0_i32_0 : i32, i32
  }
  func.func @transform_5(%arg0: i32) -> (i32, i32) {
    %c0_i32 = arith.constant 0 : i32
    %c0_i32_0 = arith.constant 0 : i32
    %c0_i32_1 = arith.constant 0 : i32
    return %c0_i32, %c0_i32_0 : i32, i32
  }
  func.func @transform_6(%arg0: i32) -> (i32, i32) {
    %c0_i32 = arith.constant 0 : i32
    %c0_i32_0 = arith.constant 0 : i32
    return %arg0, %c0_i32 : i32, i32
  }
}

module attributes {stable_mosaic.version = 14 : i64} {
  func.func @body(%arg0: i32, %arg1: memref<1024x1xf32, #tpu.memory_space<vmem>>, %arg2: memref<1024x1xf32, #tpu.memory_space<vmem>>, %arg3: memref<1024x1xf32, #tpu.memory_space<vmem>>, %arg4: memref<1024x1xf32, #tpu.memory_space<vmem>>, %arg5: memref<1x1xf32, #tpu.memory_space<vmem>>, %arg6: memref<1024x1xf32, #tpu.memory_space<vmem>>) attributes {dimension_semantics = [#tpu.dimension_semantics<arbitrary>], iteration_bounds = array<i64: 10>, scalar_prefetch = 0 : i64, scratch_operands = 0 : i64, tpu.core_type = #tpu.core_type<tc>, window_params = [{transform_indices = @transform_0, window_bounds = array<i64: 1024, 1>}, {transform_indices = @transform_1, window_bounds = array<i64: 1024, 1>}, {transform_indices = @transform_2, window_bounds = array<i64: 1024, 1>}, {transform_indices = @transform_3, window_bounds = array<i64: 1024, 1>}, {pipeline_mode = #tpu.pipeline_mode<synchronous>, transform_indices = @transform_4, window_bounds = array<i64: 1, 1>}, {transform_indices = @transform_5, window_bounds = array<i64: 1024, 1>}]} {
    %get3A = arith.constant 0 : index
    %get3A_0 = arith.constant 0 : index
    %get3A_1 = vector.load %arg4[%get3A, %get3A_0] : memref<1024x1xf32, #tpu.memory_space<vmem>>, vector<1024x1xf32>
    %get3A_2 = arith.constant 0 : index
    %get3A_3 = arith.constant 0 : index
    %get3A_4 = vector.load %arg1[%get3A_2, %get3A_3] : memref<1024x1xf32, #tpu.memory_space<vmem>>, vector<1024x1xf32>
    %get3A_5 = arith.constant 0 : index
    %get3A_6 = arith.constant 0 : index
    %get3A_7 = vector.load %arg2[%get3A_5, %get3A_6] : memref<1024x1xf32, #tpu.memory_space<vmem>>, vector<1024x1xf32>
    %add3A = arith.addf %get3A_4, %get3A_7 : vector<1024x1xf32>
    %get3A_8 = arith.constant 0 : index
    %get3A_9 = arith.constant 0 : index
    %get3A_10 = vector.load %arg3[%get3A_8, %get3A_9] : memref<1024x1xf32, #tpu.memory_space<vmem>>, vector<1024x1xf32>
    %add3A_11 = arith.addf %add3A, %get3A_10 : vector<1024x1xf32>
    %mul3A = arith.mulf %get3A_1, %add3A_11 : vector<1024x1xf32>
    %get3A_12 = arith.constant 0 : index
    %get3A_13 = arith.constant 0 : index
    %get3A_14 = vector.load %arg5[%get3A_12, %get3A_13] : memref<1x1xf32, #tpu.memory_space<vmem>>, vector<1x1xf32>
    %add3A_15 = vector.broadcast %get3A_14 : vector<1x1xf32> to vector<1024x1xf32>
    %add3A_16 = arith.addf %mul3A, %add3A_15 : vector<1024x1xf32>
    %swap3A = arith.constant 0 : index
    %swap3A_17 = arith.constant 0 : index
    %swap3A_18 = vector.load %arg6[%swap3A, %swap3A_17] : memref<1024x1xf32, #tpu.memory_space<vmem>>, vector<1024x1xf32>
    tpu.vector_store %arg6[%swap3A, %swap3A_17], %add3A_16 {strides = array<i32>} : memref<1024x1xf32, #tpu.memory_space<vmem>>, vector<1024x1xf32>,
    return
  }
  func.func @transform_0(%arg0: i32) -> (i32, i32) {
    %c0_i32 = arith.constant 0 : i32
    %c0_i32_0 = arith.constant 0 : i32
    return %arg0, %c0_i32 : i32, i32
  }
  func.func @transform_1(%arg0: i32) -> (i32, i32) {
    %c0_i32 = arith.constant 0 : i32
    %c0_i32_0 = arith.constant 0 : i32
    return %arg0, %c0_i32 : i32, i32
  }
  func.func @transform_2(%arg0: i32) -> (i32, i32) {
    %c0_i32 = arith.constant 0 : i32
    %c0_i32_0 = arith.constant 0 : i32
    return %arg0, %c0_i32 : i32, i32
  }
  func.func @transform_3(%arg0: i32) -> (i32, i32) {
    %c0_i32 = arith.constant 0 : i32
    %c0_i32_0 = arith.constant 0 : i32
    return %arg0, %c0_i32 : i32, i32
  }
  func.func @transform_4(%arg0: i32) -> (i32, i32) {
    %c0_i32 = arith.constant 0 : i32
    %c0_i32_0 = arith.constant 0 : i32
    %c0_i32_1 = arith.constant 0 : i32
    return %c0_i32, %c0_i32_0 : i32, i32
  }
  func.func @transform_5(%arg0: i32) -> (i32, i32) {
    %c0_i32 = arith.constant 0 : i32
    %c0_i32_0 = arith.constant 0 : i32
    return %arg0, %c0_i32 : i32, i32
  }
}

</mosaic_0001>

<sc_bundles>
// kernel: kernel.10.cloned.1.call-start
scs
__scs_entry_jumppad:
0x0: {  	(pc) =	sbr.rel $0x88, $3  }
0x1: {  	(tag) =	ssettag $0x0;
	lr =	simm.s32 $0x1  }
0x2: {  	[smem:$0x3F99] =	sst lr;
	_ =	strace $0xD0000000  }
0x3: {  	_ = 	snop  }
0x4: {  	_ = 	snop  }
0x5: {  	_ = 	snop  }
0x6: {  	_ = 	snop  }
0x7: {  	_ = 	snop  }
__scs_overlays_trampoline_lowered:
0x8: {  	[smem:$0x3FA8] =	sst s0  }
0x9: {  	[smem:$0x3FA9] =	sst s1  }
0xa: {  	[smem:$0x3FAA] =	sst s2  }
0xb: {  	[smem:$0x3FAB] =	sst s3  }
0xc: {  	[smem:$0x3FAC] =	sst s4  }
0xd: {  	[smem:$0x3FAD] =	sst s5  }
0xe: {  	[smem:$0x3FAE] =	sst s6  }
0xf: {  	[smem:$0x3FAF] =	sst s7  }
0x10: {  	[smem:$0x3FB0] =	sst s8  }
0x11: {  	[smem:$0x3FB1] =	sst s9;
	s0 =	simm.s32 @!p0 $0x0  }
0x12: {  	s1 =	sld [smem:$0x3F97];
	s0 =	simm.s32 @p0 $0x1  }
0x13: {  	[smem:$0x3FB2] =	sst s0;
	s0 =	simm.s32 @!p1 $0x0  }
0x14: {  	s2 =	sld [smem:$0x3F96];
	s0 =	simm.s32 @p1 $0x1  }
0x15: {  	[smem:$0x3FB3] =	sst s0;
	s0 =	simm.s32 @!p2 $0x0  }
0x16: {  	s3 =	sld [smem:$0x3FDB];
	s0 =	simm.s32 @p2 $0x1  }
0x17: {  	s4 =	simm.s32 $0x1BF5;
	[smem:$0x3FB5] =	sst s0  }
0x18: {  	s0 =	sld [smem:$0x3F98];
	_ =	swait.ge [sflag:s4], $0x0  }
0x19: {  	s7 =	sld [smem:$0x3F99]  }
0x1a: {  	s8 =	sadd.s32 $0xFFFFE003, lr  }
0x1b: {  	s9 =	sadd.s32 $0xFFFFFEF7, lr;
	s5 =	simm.s32 $0xFFFFFFFF;
	p2 =	slt.u32 s8, $0xFFFFF086  }
0x1c: {  	p1 =	slt.u32 s9, $0xF7A;
	s5 =	simm.s32 @!p2 $0x0  }
0x1d: {  	s5 =	simm.s32 @p1 $0x1;
	p0 =	seq.s32 s7, s2  }
0x1e: {  	s7 =	smul.u32 @!p0 $0xF7A, s2;
	p2 =	seq.s32 @!p0 s5, $0x0  }
0x1f: {  	s9 =	smul.u32 $0xF7A, s1;
	s8 =	simm.s32 @!p0 $0x1BF5;
	p2 =	por !p2, p0  }
0x20: {  	[sflag:s8] =	ssyncset.s32 @!p0 $0xFFFFF086;
	s6 =	sadd.s32 @!p0 s3, s7;
	s7 =	simm.s32 @!p0 $0x108  }
0x21: {  	s3 =	sadd.s32 s3, s9;
	s6 =	sadd.s32 @!p0 $0x88, s6;
	s7 =	simm.s32 @p2 $0x1082  }
0x22: {  	[simem:s7], [sflag:s8] =	dma.local @!p0 [hbm:s6], $0xF7A  }
0x23: {  	s9 =	sor.u32 $0xD0000000, s2;
	s6 =	simm.s32 $0x108;
	_ =	swait.ge @!p0 [sflag:s8], $0x0  }
0x24: {  	s3 =	sadd.s32 $0x88, s3;
	s6 =	simm.s32 @!p1 $0x1082;
	[sflag:s4] =	ssyncset.s32 $0xFFFFF086  }
0x25: {  	[simem:s6], [sflag:s4] =	dma.local [hbm:s3], $0xF7A  }
0x26: {  	[smem:$0x3F99] =	sst s1;
	(tag) =	ssettag s2;
	_ =	strace s9  }
0x27: {  	s1 =	sld [smem:$0x3FA9]  }
0x28: {  	s2 =	sld [smem:$0x3FAA]  }
0x29: {  	s4 =	sld [smem:$0x3FAC]  }
0x2a: {  	p0 =	seq.s32 s5, $0x0;
	s5 =	sld [smem:$0x3FAD]  }
0x2b: {  	s6 =	sld [smem:$0x3FAE]  }
0x2c: {  	s7 =	sld [smem:$0x3FAF]  }
0x2d: {  	s3 =	simm.s32 $0x108;
	s8 =	sld [smem:$0x3FB0]  }
0x2e: {  	s3 =	simm.s32 @!p0 $0x1082;
	s9 =	sld [smem:$0x3FB1]  }
0x2f: {  	lr =	sadd.s32 s0, s3;
	s0 =	sld [smem:$0x3FA8]  }
0x30: {  	s3 =	sld [smem:$0x3FAB]  }
0x31: {  	[smem:$0x3FB4] =	sst s10  }
0x32: {  	s10 =	sld [smem:$0x3FB2];
	_ =	sdelay $0x3  }
0x33: {  	p0 =	seq.s32 s10, $0x1;
	s10 =	sld [smem:$0x3FB4];
	_ =	sdelay $0x3  }
0x34: {  	[smem:$0x3FB4] =	sst s10  }
0x35: {  	s10 =	sld [smem:$0x3FB3];
	_ =	sdelay $0x3  }
0x36: {  	p1 =	seq.s32 s10, $0x1;
	s10 =	sld [smem:$0x3FB4];
	_ =	sdelay $0x3  }
0x37: {  	[smem:$0x3FB4] =	sst s10  }
0x38: {  	s10 =	sld [smem:$0x3FB5]  }
0x39: {  	_ = 	snop;
	(pc) =	sbr.ind lr, $3  }
0x3a: {  	_ = 	snop  }
0x3b: {  	_ = 	snop  }
0x3c: {  	p2 =	seq.s32 s10, $0x1;
	s10 =	sld [smem:$0x3FB4]  }
0x3d: {  	_ =	shalt  }
0x3e: {  	_ =	shalt  }
0x3f: {  	_ =	shalt  }
0x40: {  	_ =	shalt  }
0x41: {  	_ =	shalt  }
0x42: {  	_ =	shalt  }
0x43: {  	_ =	shalt  }
0x44: {  	_ =	shalt  }
0x45: {  	_ =	shalt  }
0x46: {  	_ =	shalt  }
0x47: {  	_ =	shalt  }
0x48: {  	_ =	shalt  }
0x49: {  	_ =	shalt  }
0x4a: {  	_ =	shalt  }
0x4b: {  	_ =	shalt  }
0x4c: {  	_ =	shalt  }
0x4d: {  	_ =	shalt  }
0x4e: {  	_ =	shalt  }
0x4f: {  	_ =	shalt  }
0x50: {  	_ =	shalt  }
0x51: {  	_ =	shalt  }
0x52: {  	_ =	shalt  }
0x53: {  	_ =	shalt  }
0x54: {  	_ =	shalt  }
0x55: {  	_ =	shalt  }
0x56: {  	_ =	shalt  }
0x57: {  	_ =	shalt  }
0x58: {  	_ =	shalt  }
0x59: {  	_ =	shalt  }
0x5a: {  	_ =	shalt  }
0x5b: {  	_ =	shalt  }
0x5c: {  	_ =	shalt  }
0x5d: {  	_ =	shalt  }
0x5e: {  	_ =	shalt  }
0x5f: {  	_ =	shalt  }
0x60: {  	_ =	shalt  }
0x61: {  	_ =	shalt  }
0x62: {  	_ =	shalt  }
0x63: {  	_ =	shalt  }
0x64: {  	_ =	shalt  }
0x65: {  	_ =	shalt  }
0x66: {  	_ =	shalt  }
0x67: {  	_ =	shalt  }
0x68: {  	_ =	shalt  }
0x69: {  	_ =	shalt  }
0x6a: {  	_ =	shalt  }
0x6b: {  	_ =	shalt  }
0x6c: {  	_ =	shalt  }
0x6d: {  	_ =	shalt  }
0x6e: {  	_ =	shalt  }
0x6f: {  	_ =	shalt  }
0x70: {  	_ =	shalt  }
0x71: {  	_ =	shalt  }
0x72: {  	_ =	shalt  }
0x73: {  	_ =	shalt  }
0x74: {  	_ =	shalt  }
0x75: {  	_ =	shalt  }
0x76: {  	_ =	shalt  }
0x77: {  	_ =	shalt  }
0x78: {  	_ =	shalt  }
0x79: {  	_ =	shalt  }
0x7a: {  	_ =	shalt  }
0x7b: {  	_ =	shalt  }
0x7c: {  	_ =	shalt  }
0x7d: {  	_ =	shalt  }
0x7e: {  	_ =	shalt  }
0x7f: {  	_ =	shalt  }
0x80: {  	_ =	shalt  }
0x81: {  	_ =	shalt  }
0x82: {  	_ =	shalt  }
0x83: {  	_ =	shalt  }
0x84: {  	_ =	shalt  }
0x85: {  	_ =	shalt  }
0x86: {  	_ =	shalt  }
0x87: {  	_ =	shalt  }
.Lfunc_end0:
.L_simem_size_0:
called_computation_lowered:
.L_overlay_start_0:
0x88: {  	s2 =	sld [smem:$0x3FD9]  }
0x89: {  	s3 =	sld [smem:$0x3FFE];
	_ =	sdelay $0x1  }
0x8a: {  	s1 =	srdreg.scid  }
0x8b: {  	s0 =	sand.u32 $0x1, s1  }
0x8c: {  	s16 =	sshll.u32 s0, $0xA;
	s2 =	sadd.s32 s3, s2  }
0x8d: {  	s2 =	sadd.s32 s2, s16  }
0x8e: {  	[smem:$0x3FC0] =	sst s2  }
0x8f: {  	_ = 	snop  }
0x90: {  	(tm) =	ssettm $0x1  }
0x91: {  	s17 =	sld [smem:$0x3FFB];
	_ =	sdelay $0x3  }
0x92: {  	_ =	strace s17  }
0x93: {  	s2 =	sld [smem:$0x3FFC];
	_ =	sdelay $0x3  }
0x94: {  	_ =	strace s2  }
0x95: {  	s2 =	sld [smem:$0x3FFD];
	_ =	sdelay $0x3  }
0x96: {  	_ =	strace s2  }
0x97: {  	_ =	strace $0x8FFFFFFF  }
0x98: {  	s18 =	sld [smem:$0x3FDB];
	_ =	sdelay $0x1  }
0x99: {  	s19 =	simm.s32 $_scs_section_size  }
0x9a: {  	s4 =	simm.s32 $_size__tile_overlayer_lowered;
	s5 =	simm.s32 $_tile_overlayer_lowered  }
0x9b: {  	s22 =	simm.s32 $0x1BFF;
	s21 =	sshll.u32 s5, $0x1;
	s2 =	sadd.s32 s19, s18  }
0x9c: {  	s6 =	simm.s32 $0x0;
	s20 =	sshll.u32 s4, $0x1;
	s4 =	sadd.s32 s21, s2  }
0x9d: {  	[timem:s6], [sflag:s22] =	dma.local [hbm:s4], s20  }
0x9e: {  	_ =	swait.ge [sflag:s22], s20  }
0x9f: {  	s3 =	ssub.s32 $0x0, s20;
	[sflag:s22] =	ssyncset.done $0x0  }
0xa0: {  	[sflag:s22] =	ssyncadd.s32 s3;
	_ =	sdelay $0x1  }
0xa1: {  	s23 =	simm.s32 $0x1B8B  }
0xa2: {  	_ =	swait.ge [sflag:s23], $0x1  }
0xa3: {  	[sflag:s23] =	ssyncset.done $0x0  }
0xa4: {  	s25 =	simm.s32 $0x1B8E;
	s24 =	sld [smem:$0x3FFE];
	[sflag:s23] =	ssyncadd.s32 $0xFFFFFFFF  }
0xa5: {  	s26 =	simm.s32 $execute0_lowered;
	[smem:$0x3FD2] =	sst s25  }
0xa6: {  	s4 =	sshll.u32 s26, $0x1;
	_ =	strace $0x80000046;
	[dreg:$0x1] =	wrdreg $0xFFFFFFFF  }
0xa7: {  	s28 =	simm.s32 $_size_execute0_lowered;
	s2 =	sadd.s32 s2, s4;
	[dreg:$0x0] =	wrdreg $0x0  }
0xa8: {  	s4 =	sshll.u32 s28, $0x1;
	[dreg:$0x2] =	wrdreg s2  }
0xa9: {  	[dreg:$0x3] =	wrdreg s4  }
0xaa: {  	[dreg:$0x4] =	wrdreg $0xC0  }
0xab: {  	_ =	task [dreg:s6], $0x5FFFF  }
0xac: {  	[dreg:$0x1] =	wrdreg $0xFFFFFFFF  }
0xad: {  	[dreg:$0x0] =	wrdreg $0x60  }
0xae: {  	[dreg:$0x2] =	wrdreg s24  }
0xaf: {  	[dreg:$0x3] =	wrdreg $0x9000  }
0xb0: {  	[dreg:$0x4] =	wrdreg $0x9  }
0xb1: {  	_ =	task.clear_ibuf [dreg:s6], $0x5FFFF;
	_ =	strace $0x90000046  }
0xb2: {  	s29 =	simm.s32 $0x9;
	_ =	strace $0x80000048  }
0xb3: {  	_ =	swait.ge [sflag:s29], $0x1  }
0xb4: {  	[sflag:s29] =	ssyncadd.s32 $0xFFFFFFFF  }
0xb5: {  	_ =	strace $0x90000048  }
0xb6: {  	_ =	sfence  }
0xb7: {  	s30 =	sld [smem:$0x0];
	_ =	sdelay $0x2  }
0xb8: {  	s31 =	sshll.u32 s1, $0xD;
	s1 =	sshrl.u32 s1, $0x2  }
0xb9: {  	s3 =	sand.u32 $0x4000, s31;
	s1 =	sadd.s32 s1, s30  }
0xba: {  	s0 =	sor.u32 s3, s0;
	s1 =	sshll.u32 s1, $0x11  }
0xbb: {  	s0 =	sor.u32 s1, s0  }
0xbc: {  	s0 =	sadd.s32 $0x8F2B, s0  }
0xbd: {  	[sflag:s0] =	ssyncadd.remote.s32 $0x1  }
0xbe: {  	_ =	sfence.sel $0xFFFF  }
0xbf: {  	[dreg:$0x0] =	wrdreg $0xFFFFFFFF;
	(pc) =	sbr.abs _section_cstart, $3  }
0xc0: {  	[dreg:$0x1] =	wrdreg $0xFFFFFFFF  }
0xc1: {  	_ =	task.clear_ibuf [dreg:s6], $0x2FFFF;
	_ =	strace $0x9FFFFFFF  }
0xc2: {  	(tm) =	ssettm $0x7FFFFFFF  }
0xc3: {  	_ =	shalt  }
tec
execute0_lowered:
.L_overlay_start_1:
0x0: {  	(tag) =	ssettag $0x1  }
0x1: {  	s5 =	rddreg [dreg:$0x0]  }
0x2: {  	s0 =	srdreg.scid;
	s2 =	rddreg [dreg:$0x1]  }
0x3: {  	s1 =	rddreg [dreg:$0x2];
	s3 =	simm.s32 $0x0;
	s6 =	sand.u32 $0x1, s0  }
0x4: {  	s13 =	simm.s32 $0x80;
	s0 =	stileid.u32;
	s4 =	smul.u32 $0x27800, s6  }
0x5: {  	s14 =	simm.s32 $0x100;
	s15 =	simm.s32 $0x1;
	s7 =	smul.u32 $0x2780, s0  }
0x6: {  	s16 =	simm.s32 $0x0;
	[smem:$0x7FF] =	sst s3;
	s8 =	smul.u32 $0x2800, s0  }
0x7: {  	s29 =	smul.u32 $0x28000, s6;
	_ =	strace $0x80000047;
	s6 =	ssub.s32 $0x2, s6  }
0x8: {  	s31 =	sshll.u32 s0, $0x6;
	s30 =	sshrl.u32 s6, $0x1;
	s4 =	sadd.s32 s7, s4  }
0x9: {  	s7 =	sadd.s32 s8, s29;
	s9 =	sshrl.u32 s8, $0x3;
	s11 =	ssub.s32 s6, s30  }
0xa: {  	s12 =	sadd.s32 s8, s2;
	s6 =	sor.u32 $0x1C02, s31;
	s4 =	sshrl.u32 s4, $0x3  }
0xb: {  	s7 =	sshrl.u32 s7, $0x3;
	s9 =	sadd.s32 s9, s5;
	s8 =	smax.u32 s11, $0x1  }
0xc: {  	s11 =	sshrl.u32 s12, $0x3;
	s12 =	simm.s32 $0x2;
	s10 =	sadd.s32 s4, s5  }
0xd: {  	s4 =	sadd.s32 $0x1B800, s5;
	s7 =	sadd.s32 s7, s5;
	s5 =	sadd.s32 $0x16800, s9  }
0xe: {  	s7 =	sadd.s32 $0x20800, s7;
	s9 =	sadd.s32 $0x2C00, s10;
	s10 =	sadd.s32 $0xCA00, s10  }
.LBB2_1:
0xf: {  	[spmem:s11], [sflag:s6] =	dma.local [hbm:s5], $0x500  }
0x10: {  	_ =	swait.ge [sflag:s12], $0x500  }
0x11: {  	[sflag:s12] =	ssyncset.done $0x0  }
0x12: {  	[sflag:s12] =	ssyncadd.s32 $0xFFFFFB00  }
0x13: {  	s17 =	sadd.s32 $0x0, s10;
	[bflag:$0x0] =	sbarrier.arrive $0xFFFF  }
0x14: {  	[tilespmem:s3], [sflag:$0x2] =	stream.linear.gather [hbm4b:s17+s3], $0x80, $0x38;
	[tilespmem:$0x3100] =	vst v63  }
0x15: {  	_ =	swait.ge [sflag:s12], $0x80  }
0x16: {  	[sflag:s12] =	ssyncset.done $0x0  }
0x17: {  	s31 =	sadd.s32 $0x0, s9;
	[sflag:s12] =	ssyncadd.s32 $0xFFFFFF80  }
0x18: {  	[tilespmem:s13], [sflag:$0x2] =	stream.linear.gather [hbm4b:s31+s3], $0x80, $0x38;
	[tilespmem:$0x3100] =	vst v63  }
0x19: {  	_ =	swait.ge [sflag:s12], $0x80  }
0x1a: {  	[sflag:s12] =	ssyncset.done $0x0  }
0x1b: {  	[sflag:s12] =	ssyncadd.s32 $0xFFFFFF80  }
0x1c: {  	[tilespmem:s14], [sflag:$0x1] =	stream.indirect.gather [hbm4b:s4+s13], $0x10, s3, s13, $0xb8;
	[tilespmem:$0x3100] =	vst v63  }
0x1d: {  	_ =	swait.ge [sflag:s15], $0x800  }
0x1e: {  	[sflag:s15] =	ssyncset.done $0x0  }
0x1f: {  	[sflag:s15] =	ssyncadd.s32 $0xFFFFF800  }
0x20: {  	[spmem:s2] =	stream.indirect.scatter.add.f32 [tilespmem:s14], [sflag:$0x2], $0x10, s13, s13, $0xb8;
	[tilespmem:$0x3100] =	vst v63  }
0x21: {  	_ =	swait.ge [sflag:s12], $0x800  }
0x22: {  	s18 =	simm.s32 $0x20;
	s17 =	simm.s32 $0x10;
	[sflag:s12] =	ssyncset.done $0x0  }
.LBB2_2:
0x23: {  	s19 =	sadd.s32 s17, s10  }
0x24: {  	[sflag:s12] =	ssyncadd.s32 $0xFFFFF800;
	s20 =	smov.u32 s18;
	s21 =	sadd.s32 $0x10, s18  }
0x25: {  	[tilespmem:s3], [sflag:$0x2] =	stream.linear.gather [hbm4b:s19+s3], $0x80, $0x38;
	[tilespmem:$0x3100] =	vst v63  }
0x26: {  	p0 =	sne.s32 s18, $0x4E0;
	_ =	swait.ge [sflag:s12], $0x80  }
0x27: {  	[sflag:s12] =	ssyncset.done $0x0  }
0x28: {  	s18 =	sadd.s32 s17, s9;
	s17 =	smov.u32 s20;
	[sflag:s12] =	ssyncadd.s32 $0xFFFFFF80  }
0x29: {  	[tilespmem:s13], [sflag:$0x2] =	stream.linear.gather [hbm4b:s18+s3], $0x80, $0x38;
	[tilespmem:$0x3100] =	vst v63  }
0x2a: {  	_ =	swait.ge [sflag:s12], $0x80  }
0x2b: {  	[sflag:s12] =	ssyncset.done $0x0  }
0x2c: {  	[sflag:s12] =	ssyncadd.s32 $0xFFFFFF80  }
0x2d: {  	[tilespmem:s14], [sflag:$0x1] =	stream.indirect.gather [hbm4b:s4+s13], $0x10, s3, s13, $0xb8;
	[tilespmem:$0x3100] =	vst v63  }
0x2e: {  	_ =	swait.ge [sflag:s15], $0x800  }
.Ltmp0:
0x2f: {  	[sflag:s15] =	ssyncset.done $0x0;
	(pc) =	sbr.rel @p0 .LBB2_2-.Ltmp0, $4  }
0x30: {  	[sflag:s15] =	ssyncadd.s32 $0xFFFFF800  }
0x31: {  	[spmem:s2] =	stream.indirect.scatter.add.f32 [tilespmem:s14], [sflag:$0x2], $0x10, s13, s13, $0xb8;
	[tilespmem:$0x3100] =	vst v63  }
0x32: {  	_ =	swait.ge [sflag:s12], $0x800  }
0x33: {  	s18 =	smov.u32 s21;
	[sflag:s12] =	ssyncset.done $0x0  }
0x34: {  	s18 =	sadd.s32 s17, s10;
	[sflag:s12] =	ssyncadd.s32 $0xFFFFF800  }
0x35: {  	[tilespmem:s3], [sflag:$0x2] =	stream.linear.gather [hbm4b:s18+s3], $0x80, $0x38;
	[tilespmem:$0x3100] =	vst v63  }
0x36: {  	_ =	swait.ge [sflag:s12], $0x80  }
0x37: {  	[sflag:s12] =	ssyncset.done $0x0  }
0x38: {  	s31 =	sadd.s32 s17, s9;
	[sflag:s12] =	ssyncadd.s32 $0xFFFFFF80  }
0x39: {  	[tilespmem:s13], [sflag:$0x2] =	stream.linear.gather [hbm4b:s31+s3], $0x80, $0x38;
	[tilespmem:$0x3100] =	vst v63  }
0x3a: {  	_ =	swait.ge [sflag:s12], $0x80  }
0x3b: {  	[sflag:s12] =	ssyncset.done $0x0  }
0x3c: {  	[sflag:s12] =	ssyncadd.s32 $0xFFFFFF80  }
0x3d: {  	[tilespmem:s14], [sflag:$0x1] =	stream.indirect.gather [hbm4b:s4+s13], $0x10, s3, s13, $0xb8;
	[tilespmem:$0x3100] =	vst v63  }
0x3e: {  	_ =	swait.ge [sflag:s15], $0x800  }
0x3f: {  	[sflag:s15] =	ssyncset.done $0x0  }
0x40: {  	[sflag:s15] =	ssyncadd.s32 $0xFFFFF800  }
0x41: {  	[spmem:s2] =	stream.indirect.scatter.add.f32 [tilespmem:s14], [sflag:$0x2], $0x10, s13, s13, $0xb8;
	[tilespmem:$0x3100] =	vst v63  }
0x42: {  	_ =	swait.ge [sflag:s12], $0x800  }
0x43: {  	s16 =	sadd.s32 $0x1, s16;
	[sflag:s12] =	ssyncset.done $0x0  }
0x44: {  	p0 =	sne.s32 s16, s8;
	[sflag:s12] =	ssyncadd.s32 $0xFFFFF800  }
.Ltmp1:
0x45: {  	[bflag:$0x0] =	sbarrier.arrive $0xFFFF;
	(pc) =	sbr.rel @p0 .LBB2_1-.Ltmp1, $4  }
0x46: {  	[hbm:s7], [sflag:s6] =	dma.local [spmem:s11], $0x500  }
0x47: {  	_ =	swait.ge [sflag:s12], $0x500  }
0x48: {  	[sflag:s12] =	ssyncset.done $0x0  }
0x49: {  	[sflag:s12] =	ssyncadd.s32 $0xFFFFFB00  }
0x4a: {  	_ =	sfence.sel $0x180000  }
0x4b: {  	[bflag:$0x0] =	sbarrier.arrive $0xFFFF  }
0x4c: {  	p0 =	sne.s32 s0, $0x0;
	_ =	strace $0x90000047  }
0x4d: {  	s0 =	sadd.s32 @!p0 $0x100000, s1;
	[bflag:$0x2] =	sbarrier.arrive $0xFFFF  }
0x4e: {  	[sflag:s0] =	ssyncadd.tile.s32 @!p0 $0x1;
	_ =	shalt  }
.Lfunc_end2:
_tile_overlayer_lowered:
.L_overlay_start_2:
0x4f: {  	(tag) =	ssettag $0x2  }
0x50: {  	s0 =	rddreg [dreg:$0x0];
	s2 =	stileid.u32  }
0x51: {  	s1 =	rddreg [dreg:$0x1];
	p0 =	sne.s32 s2, $0x0  }
0x52: {  	s3 =	rddreg [dreg:$0x2];
	[bflag:$0x3] =	sbarrier.arrive $0xFFFF;
	s2 =	simm.s32 @!p0 $0x1C02  }
0x53: {  	[timem:s3], [sflag:s2] =	dma.local @!p0 [hbm:s0], s1  }
0x54: {  	s0 =	simm.s32 @!p0 $0x2  }
0x55: {  	_ =	swait.ge @!p0 [sflag:s0], s1  }
0x56: {  	s1 =	ssub.s32 @!p0 $0x0, s1;
	[sflag:s0] =	ssyncset.done @!p0 $0x0  }
0x57: {  	[sflag:s0] =	ssyncadd.s32 @!p0 s1  }
0x58: {  	[bflag:$0x3] =	sbarrier.arrive $0xFFFF  }
0x59: {  	_ =	shalt  }

// kernel: kernel.13.cloned.1.call-start
scs
__scs_entry_jumppad:
0x0: {  	(pc) =	sbr.rel $0x88, $3  }
0x1: {  	(tag) =	ssettag $0x0;
	lr =	simm.s32 $0x1  }
0x2: {  	[smem:$0x3F99] =	sst lr;
	_ =	strace $0xD0000000  }
0x3: {  	_ = 	snop  }
0x4: {  	_ = 	snop  }
0x5: {  	_ = 	snop  }
0x6: {  	_ = 	snop  }
0x7: {  	_ = 	snop  }
__scs_overlays_trampoline_lowered:
0x8: {  	[smem:$0x3FA8] =	sst s0  }
0x9: {  	[smem:$0x3FA9] =	sst s1  }
0xa: {  	[smem:$0x3FAA] =	sst s2  }
0xb: {  	[smem:$0x3FAB] =	sst s3  }
0xc: {  	[smem:$0x3FAC] =	sst s4  }
0xd: {  	[smem:$0x3FAD] =	sst s5  }
0xe: {  	[smem:$0x3FAE] =	sst s6  }
0xf: {  	[smem:$0x3FAF] =	sst s7  }
0x10: {  	[smem:$0x3FB0] =	sst s8  }
0x11: {  	[smem:$0x3FB1] =	sst s9;
	s0 =	simm.s32 @!p0 $0x0  }
0x12: {  	s1 =	sld [smem:$0x3F97];
	s0 =	simm.s32 @p0 $0x1  }
0x13: {  	[smem:$0x3FB2] =	sst s0;
	s0 =	simm.s32 @!p1 $0x0  }
0x14: {  	s2 =	sld [smem:$0x3F96];
	s0 =	simm.s32 @p1 $0x1  }
0x15: {  	[smem:$0x3FB3] =	sst s0;
	s0 =	simm.s32 @!p2 $0x0  }
0x16: {  	s3 =	sld [smem:$0x3FDB];
	s0 =	simm.s32 @p2 $0x1  }
0x17: {  	s4 =	simm.s32 $0x1BF5;
	[smem:$0x3FB5] =	sst s0  }
0x18: {  	s0 =	sld [smem:$0x3F98];
	_ =	swait.ge [sflag:s4], $0x0  }
0x19: {  	s7 =	sld [smem:$0x3F99]  }
0x1a: {  	s8 =	sadd.s32 $0xFFFFE003, lr  }
0x1b: {  	s9 =	sadd.s32 $0xFFFFFEF7, lr;
	s5 =	simm.s32 $0xFFFFFFFF;
	p2 =	slt.u32 s8, $0xFFFFF086  }
0x1c: {  	p1 =	slt.u32 s9, $0xF7A;
	s5 =	simm.s32 @!p2 $0x0  }
0x1d: {  	s5 =	simm.s32 @p1 $0x1;
	p0 =	seq.s32 s7, s2  }
0x1e: {  	s7 =	smul.u32 @!p0 $0xF7A, s2;
	p2 =	seq.s32 @!p0 s5, $0x0  }
0x1f: {  	s9 =	smul.u32 $0xF7A, s1;
	s8 =	simm.s32 @!p0 $0x1BF5;
	p2 =	por !p2, p0  }
0x20: {  	[sflag:s8] =	ssyncset.s32 @!p0 $0xFFFFF086;
	s6 =	sadd.s32 @!p0 s3, s7;
	s7 =	simm.s32 @!p0 $0x108  }
0x21: {  	s3 =	sadd.s32 s3, s9;
	s6 =	sadd.s32 @!p0 $0x88, s6;
	s7 =	simm.s32 @p2 $0x1082  }
0x22: {  	[simem:s7], [sflag:s8] =	dma.local @!p0 [hbm:s6], $0xF7A  }
0x23: {  	s9 =	sor.u32 $0xD0000000, s2;
	s6 =	simm.s32 $0x108;
	_ =	swait.ge @!p0 [sflag:s8], $0x0  }
0x24: {  	s3 =	sadd.s32 $0x88, s3;
	s6 =	simm.s32 @!p1 $0x1082;
	[sflag:s4] =	ssyncset.s32 $0xFFFFF086  }
0x25: {  	[simem:s6], [sflag:s4] =	dma.local [hbm:s3], $0xF7A  }
0x26: {  	[smem:$0x3F99] =	sst s1;
	(tag) =	ssettag s2;
	_ =	strace s9  }
0x27: {  	s1 =	sld [smem:$0x3FA9]  }
0x28: {  	s2 =	sld [smem:$0x3FAA]  }
0x29: {  	s4 =	sld [smem:$0x3FAC]  }
0x2a: {  	p0 =	seq.s32 s5, $0x0;
	s5 =	sld [smem:$0x3FAD]  }
0x2b: {  	s6 =	sld [smem:$0x3FAE]  }
0x2c: {  	s7 =	sld [smem:$0x3FAF]  }
0x2d: {  	s3 =	simm.s32 $0x108;
	s8 =	sld [smem:$0x3FB0]  }
0x2e: {  	s3 =	simm.s32 @!p0 $0x1082;
	s9 =	sld [smem:$0x3FB1]  }
0x2f: {  	lr =	sadd.s32 s0, s3;
	s0 =	sld [smem:$0x3FA8]  }
0x30: {  	s3 =	sld [smem:$0x3FAB]  }
0x31: {  	[smem:$0x3FB4] =	sst s10  }
0x32: {  	s10 =	sld [smem:$0x3FB2];
	_ =	sdelay $0x3  }
0x33: {  	p0 =	seq.s32 s10, $0x1;
	s10 =	sld [smem:$0x3FB4];
	_ =	sdelay $0x3  }
0x34: {  	[smem:$0x3FB4] =	sst s10  }
0x35: {  	s10 =	sld [smem:$0x3FB3];
	_ =	sdelay $0x3  }
0x36: {  	p1 =	seq.s32 s10, $0x1;
	s10 =	sld [smem:$0x3FB4];
	_ =	sdelay $0x3  }
0x37: {  	[smem:$0x3FB4] =	sst s10  }
0x38: {  	s10 =	sld [smem:$0x3FB5]  }
0x39: {  	_ = 	snop;
	(pc) =	sbr.ind lr, $3  }
0x3a: {  	_ = 	snop  }
0x3b: {  	_ = 	snop  }
0x3c: {  	p2 =	seq.s32 s10, $0x1;
	s10 =	sld [smem:$0x3FB4]  }
0x3d: {  	_ =	shalt  }
0x3e: {  	_ =	shalt  }
0x3f: {  	_ =	shalt  }
0x40: {  	_ =	shalt  }
0x41: {  	_ =	shalt  }
0x42: {  	_ =	shalt  }
0x43: {  	_ =	shalt  }
0x44: {  	_ =	shalt  }
0x45: {  	_ =	shalt  }
0x46: {  	_ =	shalt  }
0x47: {  	_ =	shalt  }
0x48: {  	_ =	shalt  }
0x49: {  	_ =	shalt  }
0x4a: {  	_ =	shalt  }
0x4b: {  	_ =	shalt  }
0x4c: {  	_ =	shalt  }
0x4d: {  	_ =	shalt  }
0x4e: {  	_ =	shalt  }
0x4f: {  	_ =	shalt  }
0x50: {  	_ =	shalt  }
0x51: {  	_ =	shalt  }
0x52: {  	_ =	shalt  }
0x53: {  	_ =	shalt  }
0x54: {  	_ =	shalt  }
0x55: {  	_ =	shalt  }
0x56: {  	_ =	shalt  }
0x57: {  	_ =	shalt  }
0x58: {  	_ =	shalt  }
0x59: {  	_ =	shalt  }
0x5a: {  	_ =	shalt  }
0x5b: {  	_ =	shalt  }
0x5c: {  	_ =	shalt  }
0x5d: {  	_ =	shalt  }
0x5e: {  	_ =	shalt  }
0x5f: {  	_ =	shalt  }
0x60: {  	_ =	shalt  }
0x61: {  	_ =	shalt  }
0x62: {  	_ =	shalt  }
0x63: {  	_ =	shalt  }
0x64: {  	_ =	shalt  }
0x65: {  	_ =	shalt  }
0x66: {  	_ =	shalt  }
0x67: {  	_ =	shalt  }
0x68: {  	_ =	shalt  }
0x69: {  	_ =	shalt  }
0x6a: {  	_ =	shalt  }
0x6b: {  	_ =	shalt  }
0x6c: {  	_ =	shalt  }
0x6d: {  	_ =	shalt  }
0x6e: {  	_ =	shalt  }
0x6f: {  	_ =	shalt  }
0x70: {  	_ =	shalt  }
0x71: {  	_ =	shalt  }
0x72: {  	_ =	shalt  }
0x73: {  	_ =	shalt  }
0x74: {  	_ =	shalt  }
0x75: {  	_ =	shalt  }
0x76: {  	_ =	shalt  }
0x77: {  	_ =	shalt  }
0x78: {  	_ =	shalt  }
0x79: {  	_ =	shalt  }
0x7a: {  	_ =	shalt  }
0x7b: {  	_ =	shalt  }
0x7c: {  	_ =	shalt  }
0x7d: {  	_ =	shalt  }
0x7e: {  	_ =	shalt  }
0x7f: {  	_ =	shalt  }
0x80: {  	_ =	shalt  }
0x81: {  	_ =	shalt  }
0x82: {  	_ =	shalt  }
0x83: {  	_ =	shalt  }
0x84: {  	_ =	shalt  }
0x85: {  	_ =	shalt  }
0x86: {  	_ =	shalt  }
0x87: {  	_ =	shalt  }
.Lfunc_end0:
.L_simem_size_0:
called_computation.1_lowered:
.L_overlay_start_0:
0x88: {  	s2 =	sld [smem:$0x3FD9]  }
0x89: {  	s3 =	sld [smem:$0x3FFE];
	_ =	sdelay $0x1  }
0x8a: {  	s1 =	srdreg.scid  }
0x8b: {  	s0 =	sand.u32 $0x1, s1  }
0x8c: {  	s16 =	sshll.u32 s0, $0xA;
	s2 =	sadd.s32 s3, s2  }
0x8d: {  	s2 =	sadd.s32 s2, s16  }
0x8e: {  	[smem:$0x3FC0] =	sst s2  }
0x8f: {  	_ = 	snop  }
0x90: {  	(tm) =	ssettm $0x1  }
0x91: {  	s17 =	sld [smem:$0x3FFB];
	_ =	sdelay $0x3  }
0x92: {  	_ =	strace s17  }
0x93: {  	s2 =	sld [smem:$0x3FFC];
	_ =	sdelay $0x3  }
0x94: {  	_ =	strace s2  }
0x95: {  	s2 =	sld [smem:$0x3FFD];
	_ =	sdelay $0x3  }
0x96: {  	_ =	strace s2  }
0x97: {  	_ =	strace $0x8FFFFFFF  }
0x98: {  	s18 =	sld [smem:$0x3FDB];
	_ =	sdelay $0x1  }
0x99: {  	s19 =	simm.s32 $_scs_section_size  }
0x9a: {  	s4 =	simm.s32 $_size__tile_overlayer_lowered;
	s5 =	simm.s32 $_tile_overlayer_lowered  }
0x9b: {  	s22 =	simm.s32 $0x1BFF;
	s21 =	sshll.u32 s5, $0x1;
	s2 =	sadd.s32 s19, s18  }
0x9c: {  	s6 =	simm.s32 $0x0;
	s20 =	sshll.u32 s4, $0x1;
	s4 =	sadd.s32 s21, s2  }
0x9d: {  	[timem:s6], [sflag:s22] =	dma.local [hbm:s4], s20  }
0x9e: {  	_ =	swait.ge [sflag:s22], s20  }
0x9f: {  	s3 =	ssub.s32 $0x0, s20;
	[sflag:s22] =	ssyncset.done $0x0  }
0xa0: {  	[sflag:s22] =	ssyncadd.s32 s3;
	_ =	sdelay $0x1  }
0xa1: {  	s23 =	simm.s32 $0x1B8B  }
0xa2: {  	_ =	swait.ge [sflag:s23], $0x1  }
0xa3: {  	[sflag:s23] =	ssyncset.done $0x0  }
0xa4: {  	s25 =	simm.s32 $0x1B8E;
	s24 =	sld [smem:$0x3FFE];
	[sflag:s23] =	ssyncadd.s32 $0xFFFFFFFF  }
0xa5: {  	s26 =	simm.s32 $execute0_lowered;
	[smem:$0x3FD2] =	sst s25  }
0xa6: {  	s4 =	sshll.u32 s26, $0x1;
	_ =	strace $0x80000049;
	[dreg:$0x1] =	wrdreg $0xFFFFFFFF  }
0xa7: {  	s28 =	simm.s32 $_size_execute0_lowered;
	s2 =	sadd.s32 s2, s4;
	[dreg:$0x0] =	wrdreg $0x0  }
0xa8: {  	s4 =	sshll.u32 s28, $0x1;
	[dreg:$0x2] =	wrdreg s2  }
0xa9: {  	[dreg:$0x3] =	wrdreg s4  }
0xaa: {  	[dreg:$0x4] =	wrdreg $0xC0  }
0xab: {  	_ =	task [dreg:s6], $0x5FFFF  }
0xac: {  	[dreg:$0x1] =	wrdreg $0xFFFFFFFF  }
0xad: {  	[dreg:$0x0] =	wrdreg $0x60  }
0xae: {  	[dreg:$0x2] =	wrdreg s24  }
0xaf: {  	[dreg:$0x3] =	wrdreg $0x21000  }
0xb0: {  	[dreg:$0x4] =	wrdreg $0x9  }
0xb1: {  	_ =	task.clear_ibuf [dreg:s6], $0x5FFFF;
	_ =	strace $0x90000049  }
0xb2: {  	s29 =	simm.s32 $0x9;
	_ =	strace $0x8000004B  }
0xb3: {  	_ =	swait.ge [sflag:s29], $0x1  }
0xb4: {  	[sflag:s29] =	ssyncadd.s32 $0xFFFFFFFF  }
0xb5: {  	_ =	strace $0x9000004B  }
0xb6: {  	_ =	sfence  }
0xb7: {  	s30 =	sld [smem:$0x0];
	_ =	sdelay $0x2  }
0xb8: {  	s31 =	sshll.u32 s1, $0xD;
	s1 =	sshrl.u32 s1, $0x2  }
0xb9: {  	s3 =	sand.u32 $0x4000, s31;
	s1 =	sadd.s32 s1, s30  }
0xba: {  	s0 =	sor.u32 s3, s0;
	s1 =	sshll.u32 s1, $0x11  }
0xbb: {  	s0 =	sor.u32 s1, s0  }
0xbc: {  	s0 =	sadd.s32 $0x8F2B, s0  }
0xbd: {  	[sflag:s0] =	ssyncadd.remote.s32 $0x1  }
0xbe: {  	_ =	sfence.sel $0xFFFF  }
0xbf: {  	[dreg:$0x0] =	wrdreg $0xFFFFFFFF;
	(pc) =	sbr.abs _section_cstart, $3  }
0xc0: {  	[dreg:$0x1] =	wrdreg $0xFFFFFFFF  }
0xc1: {  	_ =	task.clear_ibuf [dreg:s6], $0x2FFFF;
	_ =	strace $0x9FFFFFFF  }
0xc2: {  	(tm) =	ssettm $0x7FFFFFFF  }
0xc3: {  	_ =	shalt  }
tec
execute0_lowered:
.L_overlay_start_1:
0x0: {  	(tag) =	ssettag $0x1  }
0x1: {  	s5 =	rddreg [dreg:$0x0]  }
0x2: {  	s0 =	srdreg.scid;
	s2 =	rddreg [dreg:$0x1]  }
0x3: {  	s1 =	rddreg [dreg:$0x2];
	s3 =	simm.s32 $0x0;
	s6 =	sand.u32 $0x1, s0  }
0x4: {  	s13 =	simm.s32 $0x80;
	s0 =	stileid.u32;
	s4 =	smul.u32 $0x27800, s6  }
0x5: {  	s14 =	simm.s32 $0x100;
	s15 =	simm.s32 $0x1;
	s7 =	smul.u32 $0x2780, s0  }
0x6: {  	s16 =	simm.s32 $0x0;
	[smem:$0x7FF] =	sst s3;
	s8 =	smul.u32 $0xA000, s0  }
0x7: {  	s29 =	smul.u32 $0xA0000, s6;
	_ =	strace $0x8000004A;
	s6 =	ssub.s32 $0x2, s6  }
0x8: {  	s31 =	sshll.u32 s0, $0x6;
	s30 =	sshrl.u32 s6, $0x1;
	s4 =	sadd.s32 s7, s4  }
0x9: {  	s7 =	sadd.s32 s8, s29;
	s9 =	sshrl.u32 s8, $0x3;
	s11 =	ssub.s32 s6, s30  }
0xa: {  	s12 =	sadd.s32 s8, s2;
	s6 =	sor.u32 $0x1C02, s31;
	s4 =	sshrl.u32 s4, $0x3  }
0xb: {  	s7 =	sshrl.u32 s7, $0x3;
	s9 =	sadd.s32 s9, s5;
	s8 =	smax.u32 s11, $0x1  }
0xc: {  	s11 =	sshrl.u32 s12, $0x3;
	s12 =	simm.s32 $0x2;
	s10 =	sadd.s32 s4, s5  }
0xd: {  	s4 =	sadd.s32 $0x43800, s5;
	s7 =	sadd.s32 s7, s5;
	s5 =	sadd.s32 $0x57800, s9  }
0xe: {  	s7 =	sadd.s32 $0x6B800, s7;
	s9 =	sadd.s32 $0x2C00, s10;
	s10 =	sadd.s32 $0xCA00, s10  }
.LBB2_1:
0xf: {  	[spmem:s11], [sflag:s6] =	dma.local [hbm:s5], $0x1400  }
0x10: {  	_ =	swait.ge [sflag:s12], $0x1400  }
0x11: {  	[sflag:s12] =	ssyncset.done $0x0  }
0x12: {  	[sflag:s12] =	ssyncadd.s32 $0xFFFFEC00  }
0x13: {  	s17 =	sadd.s32 $0x0, s10;
	[bflag:$0x0] =	sbarrier.arrive $0xFFFF  }
0x14: {  	[tilespmem:s3], [sflag:$0x2] =	stream.linear.gather [hbm4b:s17+s3], $0x80, $0x38;
	[tilespmem:$0xC100] =	vst v63  }
0x15: {  	_ =	swait.ge [sflag:s12], $0x80  }
0x16: {  	[sflag:s12] =	ssyncset.done $0x0  }
0x17: {  	s31 =	sadd.s32 $0x0, s9;
	[sflag:s12] =	ssyncadd.s32 $0xFFFFFF80  }
0x18: {  	[tilespmem:s13], [sflag:$0x2] =	stream.linear.gather [hbm4b:s31+s3], $0x80, $0x38;
	[tilespmem:$0xC100] =	vst v63  }
0x19: {  	_ =	swait.ge [sflag:s12], $0x80  }
0x1a: {  	[sflag:s12] =	ssyncset.done $0x0  }
0x1b: {  	[sflag:s12] =	ssyncadd.s32 $0xFFFFFF80  }
0x1c: {  	[tilespmem:s14], [sflag:$0x1] =	stream.indirect.gather [hbm4b:s4+s13], $0x40, s3, s13, $0xb8;
	[tilespmem:$0xC100] =	vst v63  }
0x1d: {  	_ =	swait.ge [sflag:s15], $0x2000  }
0x1e: {  	[sflag:s15] =	ssyncset.done $0x0  }
0x1f: {  	[sflag:s15] =	ssyncadd.s32 $0xFFFFE000  }
0x20: {  	[spmem:s2] =	stream.indirect.scatter.add.f32 [tilespmem:s14], [sflag:$0x2], $0x40, s13, s13, $0xb8;
	[tilespmem:$0xC100] =	vst v63  }
0x21: {  	_ =	swait.ge [sflag:s12], $0x2000  }
0x22: {  	s18 =	simm.s32 $0x20;
	s17 =	simm.s32 $0x10;
	[sflag:s12] =	ssyncset.done $0x0  }
.LBB2_2:
0x23: {  	s19 =	sadd.s32 s17, s10  }
0x24: {  	[sflag:s12] =	ssyncadd.s32 $0xFFFFE000;
	s20 =	smov.u32 s18;
	s21 =	sadd.s32 $0x10, s18  }
0x25: {  	[tilespmem:s3], [sflag:$0x2] =	stream.linear.gather [hbm4b:s19+s3], $0x80, $0x38;
	[tilespmem:$0xC100] =	vst v63  }
0x26: {  	p0 =	sne.s32 s18, $0x4E0;
	_ =	swait.ge [sflag:s12], $0x80  }
0x27: {  	[sflag:s12] =	ssyncset.done $0x0  }
0x28: {  	s18 =	sadd.s32 s17, s9;
	s17 =	smov.u32 s20;
	[sflag:s12] =	ssyncadd.s32 $0xFFFFFF80  }
0x29: {  	[tilespmem:s13], [sflag:$0x2] =	stream.linear.gather [hbm4b:s18+s3], $0x80, $0x38;
	[tilespmem:$0xC100] =	vst v63  }
0x2a: {  	_ =	swait.ge [sflag:s12], $0x80  }
0x2b: {  	[sflag:s12] =	ssyncset.done $0x0  }
0x2c: {  	[sflag:s12] =	ssyncadd.s32 $0xFFFFFF80  }
0x2d: {  	[tilespmem:s14], [sflag:$0x1] =	stream.indirect.gather [hbm4b:s4+s13], $0x40, s3, s13, $0xb8;
	[tilespmem:$0xC100] =	vst v63  }
0x2e: {  	_ =	swait.ge [sflag:s15], $0x2000  }
.Ltmp0:
0x2f: {  	[sflag:s15] =	ssyncset.done $0x0;
	(pc) =	sbr.rel @p0 .LBB2_2-.Ltmp0, $4  }
0x30: {  	[sflag:s15] =	ssyncadd.s32 $0xFFFFE000  }
0x31: {  	[spmem:s2] =	stream.indirect.scatter.add.f32 [tilespmem:s14], [sflag:$0x2], $0x40, s13, s13, $0xb8;
	[tilespmem:$0xC100] =	vst v63  }
0x32: {  	_ =	swait.ge [sflag:s12], $0x2000  }
0x33: {  	s18 =	smov.u32 s21;
	[sflag:s12] =	ssyncset.done $0x0  }
0x34: {  	s18 =	sadd.s32 s17, s10;
	[sflag:s12] =	ssyncadd.s32 $0xFFFFE000  }
0x35: {  	[tilespmem:s3], [sflag:$0x2] =	stream.linear.gather [hbm4b:s18+s3], $0x80, $0x38;
	[tilespmem:$0xC100] =	vst v63  }
0x36: {  	_ =	swait.ge [sflag:s12], $0x80  }
0x37: {  	[sflag:s12] =	ssyncset.done $0x0  }
0x38: {  	s31 =	sadd.s32 s17, s9;
	[sflag:s12] =	ssyncadd.s32 $0xFFFFFF80  }
0x39: {  	[tilespmem:s13], [sflag:$0x2] =	stream.linear.gather [hbm4b:s31+s3], $0x80, $0x38;
	[tilespmem:$0xC100] =	vst v63  }
0x3a: {  	_ =	swait.ge [sflag:s12], $0x80  }
0x3b: {  	[sflag:s12] =	ssyncset.done $0x0  }
0x3c: {  	[sflag:s12] =	ssyncadd.s32 $0xFFFFFF80  }
0x3d: {  	[tilespmem:s14], [sflag:$0x1] =	stream.indirect.gather [hbm4b:s4+s13], $0x40, s3, s13, $0xb8;
	[tilespmem:$0xC100] =	vst v63  }
0x3e: {  	_ =	swait.ge [sflag:s15], $0x2000  }
0x3f: {  	[sflag:s15] =	ssyncset.done $0x0  }
0x40: {  	[sflag:s15] =	ssyncadd.s32 $0xFFFFE000  }
0x41: {  	[spmem:s2] =	stream.indirect.scatter.add.f32 [tilespmem:s14], [sflag:$0x2], $0x40, s13, s13, $0xb8;
	[tilespmem:$0xC100] =	vst v63  }
0x42: {  	_ =	swait.ge [sflag:s12], $0x2000  }
0x43: {  	s16 =	sadd.s32 $0x1, s16;
	[sflag:s12] =	ssyncset.done $0x0  }
0x44: {  	p0 =	sne.s32 s16, s8;
	[sflag:s12] =	ssyncadd.s32 $0xFFFFE000  }
.Ltmp1:
0x45: {  	[bflag:$0x0] =	sbarrier.arrive $0xFFFF;
	(pc) =	sbr.rel @p0 .LBB2_1-.Ltmp1, $4  }
0x46: {  	[hbm:s7], [sflag:s6] =	dma.local [spmem:s11], $0x1400  }
0x47: {  	_ =	swait.ge [sflag:s12], $0x1400  }
0x48: {  	[sflag:s12] =	ssyncset.done $0x0  }
0x49: {  	[sflag:s12] =	ssyncadd.s32 $0xFFFFEC00  }
0x4a: {  	_ =	sfence.sel $0x180000  }
0x4b: {  	[bflag:$0x0] =	sbarrier.arrive $0xFFFF  }
0x4c: {  	p0 =	sne.s32 s0, $0x0;
	_ =	strace $0x9000004A  }
0x4d: {  	s0 =	sadd.s32 @!p0 $0x100000, s1;
	[bflag:$0x2] =	sbarrier.arrive $0xFFFF  }
0x4e: {  	[sflag:s0] =	ssyncadd.tile.s32 @!p0 $0x1;
	_ =	shalt  }
.Lfunc_end2:
_tile_overlayer_lowered:
.L_overlay_start_2:
0x4f: {  	(tag) =	ssettag $0x2  }
0x50: {  	s0 =	rddreg [dreg:$0x0];
	s2 =	stileid.u32  }
0x51: {  	s1 =	rddreg [dreg:$0x1];
	p0 =	sne.s32 s2, $0x0  }
0x52: {  	s3 =	rddreg [dreg:$0x2];
	[bflag:$0x3] =	sbarrier.arrive $0xFFFF;
	s2 =	simm.s32 @!p0 $0x1C02  }
0x53: {  	[timem:s3], [sflag:s2] =	dma.local @!p0 [hbm:s0], s1  }
0x54: {  	s0 =	simm.s32 @!p0 $0x2  }
0x55: {  	_ =	swait.ge @!p0 [sflag:s0], s1  }
0x56: {  	s1 =	ssub.s32 @!p0 $0x0, s1;
	[sflag:s0] =	ssyncset.done @!p0 $0x0  }
0x57: {  	[sflag:s0] =	ssyncadd.s32 @!p0 s1  }
0x58: {  	[bflag:$0x3] =	sbarrier.arrive $0xFFFF  }
0x59: {  	_ =	shalt  }

// kernel: kernel.16.cloned.1.call-start
scs
__scs_entry_jumppad:
0x0: {  	(pc) =	sbr.rel $0x88, $3  }
0x1: {  	(tag) =	ssettag $0x0;
	lr =	simm.s32 $0x1  }
0x2: {  	[smem:$0x3F99] =	sst lr;
	_ =	strace $0xD0000000  }
0x3: {  	_ = 	snop  }
0x4: {  	_ = 	snop  }
0x5: {  	_ = 	snop  }
0x6: {  	_ = 	snop  }
0x7: {  	_ = 	snop  }
__scs_overlays_trampoline_lowered:
0x8: {  	[smem:$0x3FA8] =	sst s0  }
0x9: {  	[smem:$0x3FA9] =	sst s1  }
0xa: {  	[smem:$0x3FAA] =	sst s2  }
0xb: {  	[smem:$0x3FAB] =	sst s3  }
0xc: {  	[smem:$0x3FAC] =	sst s4  }
0xd: {  	[smem:$0x3FAD] =	sst s5  }
0xe: {  	[smem:$0x3FAE] =	sst s6  }
0xf: {  	[smem:$0x3FAF] =	sst s7  }
0x10: {  	[smem:$0x3FB0] =	sst s8  }
0x11: {  	[smem:$0x3FB1] =	sst s9;
	s0 =	simm.s32 @!p0 $0x0  }
0x12: {  	s1 =	sld [smem:$0x3F97];
	s0 =	simm.s32 @p0 $0x1  }
0x13: {  	[smem:$0x3FB2] =	sst s0;
	s0 =	simm.s32 @!p1 $0x0  }
0x14: {  	s2 =	sld [smem:$0x3F96];
	s0 =	simm.s32 @p1 $0x1  }
0x15: {  	[smem:$0x3FB3] =	sst s0;
	s0 =	simm.s32 @!p2 $0x0  }
0x16: {  	s3 =	sld [smem:$0x3FDB];
	s0 =	simm.s32 @p2 $0x1  }
0x17: {  	s4 =	simm.s32 $0x1BF5;
	[smem:$0x3FB5] =	sst s0  }
0x18: {  	s0 =	sld [smem:$0x3F98];
	_ =	swait.ge [sflag:s4], $0x0  }
0x19: {  	s7 =	sld [smem:$0x3F99]  }
0x1a: {  	s8 =	sadd.s32 $0xFFFFE003, lr  }
0x1b: {  	s9 =	sadd.s32 $0xFFFFFEF7, lr;
	s5 =	simm.s32 $0xFFFFFFFF;
	p2 =	slt.u32 s8, $0xFFFFF086  }
0x1c: {  	p1 =	slt.u32 s9, $0xF7A;
	s5 =	simm.s32 @!p2 $0x0  }
0x1d: {  	s5 =	simm.s32 @p1 $0x1;
	p0 =	seq.s32 s7, s2  }
0x1e: {  	s7 =	smul.u32 @!p0 $0xF7A, s2;
	p2 =	seq.s32 @!p0 s5, $0x0  }
0x1f: {  	s9 =	smul.u32 $0xF7A, s1;
	s8 =	simm.s32 @!p0 $0x1BF5;
	p2 =	por !p2, p0  }
0x20: {  	[sflag:s8] =	ssyncset.s32 @!p0 $0xFFFFF086;
	s6 =	sadd.s32 @!p0 s3, s7;
	s7 =	simm.s32 @!p0 $0x108  }
0x21: {  	s3 =	sadd.s32 s3, s9;
	s6 =	sadd.s32 @!p0 $0x88, s6;
	s7 =	simm.s32 @p2 $0x1082  }
0x22: {  	[simem:s7], [sflag:s8] =	dma.local @!p0 [hbm:s6], $0xF7A  }
0x23: {  	s9 =	sor.u32 $0xD0000000, s2;
	s6 =	simm.s32 $0x108;
	_ =	swait.ge @!p0 [sflag:s8], $0x0  }
0x24: {  	s3 =	sadd.s32 $0x88, s3;
	s6 =	simm.s32 @!p1 $0x1082;
	[sflag:s4] =	ssyncset.s32 $0xFFFFF086  }
0x25: {  	[simem:s6], [sflag:s4] =	dma.local [hbm:s3], $0xF7A  }
0x26: {  	[smem:$0x3F99] =	sst s1;
	(tag) =	ssettag s2;
	_ =	strace s9  }
0x27: {  	s1 =	sld [smem:$0x3FA9]  }
0x28: {  	s2 =	sld [smem:$0x3FAA]  }
0x29: {  	s4 =	sld [smem:$0x3FAC]  }
0x2a: {  	p0 =	seq.s32 s5, $0x0;
	s5 =	sld [smem:$0x3FAD]  }
0x2b: {  	s6 =	sld [smem:$0x3FAE]  }
0x2c: {  	s7 =	sld [smem:$0x3FAF]  }
0x2d: {  	s3 =	simm.s32 $0x108;
	s8 =	sld [smem:$0x3FB0]  }
0x2e: {  	s3 =	simm.s32 @!p0 $0x1082;
	s9 =	sld [smem:$0x3FB1]  }
0x2f: {  	lr =	sadd.s32 s0, s3;
	s0 =	sld [smem:$0x3FA8]  }
0x30: {  	s3 =	sld [smem:$0x3FAB]  }
0x31: {  	[smem:$0x3FB4] =	sst s10  }
0x32: {  	s10 =	sld [smem:$0x3FB2];
	_ =	sdelay $0x3  }
0x33: {  	p0 =	seq.s32 s10, $0x1;
	s10 =	sld [smem:$0x3FB4];
	_ =	sdelay $0x3  }
0x34: {  	[smem:$0x3FB4] =	sst s10  }
0x35: {  	s10 =	sld [smem:$0x3FB3];
	_ =	sdelay $0x3  }
0x36: {  	p1 =	seq.s32 s10, $0x1;
	s10 =	sld [smem:$0x3FB4];
	_ =	sdelay $0x3  }
0x37: {  	[smem:$0x3FB4] =	sst s10  }
0x38: {  	s10 =	sld [smem:$0x3FB5]  }
0x39: {  	_ = 	snop;
	(pc) =	sbr.ind lr, $3  }
0x3a: {  	_ = 	snop  }
0x3b: {  	_ = 	snop  }
0x3c: {  	p2 =	seq.s32 s10, $0x1;
	s10 =	sld [smem:$0x3FB4]  }
0x3d: {  	_ =	shalt  }
0x3e: {  	_ =	shalt  }
0x3f: {  	_ =	shalt  }
0x40: {  	_ =	shalt  }
0x41: {  	_ =	shalt  }
0x42: {  	_ =	shalt  }
0x43: {  	_ =	shalt  }
0x44: {  	_ =	shalt  }
0x45: {  	_ =	shalt  }
0x46: {  	_ =	shalt  }
0x47: {  	_ =	shalt  }
0x48: {  	_ =	shalt  }
0x49: {  	_ =	shalt  }
0x4a: {  	_ =	shalt  }
0x4b: {  	_ =	shalt  }
0x4c: {  	_ =	shalt  }
0x4d: {  	_ =	shalt  }
0x4e: {  	_ =	shalt  }
0x4f: {  	_ =	shalt  }
0x50: {  	_ =	shalt  }
0x51: {  	_ =	shalt  }
0x52: {  	_ =	shalt  }
0x53: {  	_ =	shalt  }
0x54: {  	_ =	shalt  }
0x55: {  	_ =	shalt  }
0x56: {  	_ =	shalt  }
0x57: {  	_ =	shalt  }
0x58: {  	_ =	shalt  }
0x59: {  	_ =	shalt  }
0x5a: {  	_ =	shalt  }
0x5b: {  	_ =	shalt  }
0x5c: {  	_ =	shalt  }
0x5d: {  	_ =	shalt  }
0x5e: {  	_ =	shalt  }
0x5f: {  	_ =	shalt  }
0x60: {  	_ =	shalt  }
0x61: {  	_ =	shalt  }
0x62: {  	_ =	shalt  }
0x63: {  	_ =	shalt  }
0x64: {  	_ =	shalt  }
0x65: {  	_ =	shalt  }
0x66: {  	_ =	shalt  }
0x67: {  	_ =	shalt  }
0x68: {  	_ =	shalt  }
0x69: {  	_ =	shalt  }
0x6a: {  	_ =	shalt  }
0x6b: {  	_ =	shalt  }
0x6c: {  	_ =	shalt  }
0x6d: {  	_ =	shalt  }
0x6e: {  	_ =	shalt  }
0x6f: {  	_ =	shalt  }
0x70: {  	_ =	shalt  }
0x71: {  	_ =	shalt  }
0x72: {  	_ =	shalt  }
0x73: {  	_ =	shalt  }
0x74: {  	_ =	shalt  }
0x75: {  	_ =	shalt  }
0x76: {  	_ =	shalt  }
0x77: {  	_ =	shalt  }
0x78: {  	_ =	shalt  }
0x79: {  	_ =	shalt  }
0x7a: {  	_ =	shalt  }
0x7b: {  	_ =	shalt  }
0x7c: {  	_ =	shalt  }
0x7d: {  	_ =	shalt  }
0x7e: {  	_ =	shalt  }
0x7f: {  	_ =	shalt  }
0x80: {  	_ =	shalt  }
0x81: {  	_ =	shalt  }
0x82: {  	_ =	shalt  }
0x83: {  	_ =	shalt  }
0x84: {  	_ =	shalt  }
0x85: {  	_ =	shalt  }
0x86: {  	_ =	shalt  }
0x87: {  	_ =	shalt  }
.Lfunc_end0:
.L_simem_size_0:
called_computation.2_lowered:
.L_overlay_start_0:
0x88: {  	s2 =	sld [smem:$0x3FD9]  }
0x89: {  	s3 =	sld [smem:$0x3FFE];
	_ =	sdelay $0x1  }
0x8a: {  	s1 =	srdreg.scid  }
0x8b: {  	s0 =	sand.u32 $0x1, s1  }
0x8c: {  	s16 =	sshll.u32 s0, $0xA;
	s2 =	sadd.s32 s3, s2  }
0x8d: {  	s2 =	sadd.s32 s2, s16  }
0x8e: {  	[smem:$0x3FC0] =	sst s2  }
0x8f: {  	_ = 	snop  }
0x90: {  	(tm) =	ssettm $0x1  }
0x91: {  	s17 =	sld [smem:$0x3FFB];
	_ =	sdelay $0x3  }
0x92: {  	_ =	strace s17  }
0x93: {  	s2 =	sld [smem:$0x3FFC];
	_ =	sdelay $0x3  }
0x94: {  	_ =	strace s2  }
0x95: {  	s2 =	sld [smem:$0x3FFD];
	_ =	sdelay $0x3  }
0x96: {  	_ =	strace s2  }
0x97: {  	_ =	strace $0x8FFFFFFF  }
0x98: {  	s18 =	sld [smem:$0x3FDB];
	_ =	sdelay $0x1  }
0x99: {  	s19 =	simm.s32 $_scs_section_size  }
0x9a: {  	s4 =	simm.s32 $_size__tile_overlayer_lowered;
	s5 =	simm.s32 $_tile_overlayer_lowered  }
0x9b: {  	s22 =	simm.s32 $0x1BFF;
	s21 =	sshll.u32 s5, $0x1;
	s2 =	sadd.s32 s19, s18  }
0x9c: {  	s6 =	simm.s32 $0x0;
	s20 =	sshll.u32 s4, $0x1;
	s4 =	sadd.s32 s21, s2  }
0x9d: {  	[timem:s6], [sflag:s22] =	dma.local [hbm:s4], s20  }
0x9e: {  	_ =	swait.ge [sflag:s22], s20  }
0x9f: {  	s3 =	ssub.s32 $0x0, s20;
	[sflag:s22] =	ssyncset.done $0x0  }
0xa0: {  	[sflag:s22] =	ssyncadd.s32 s3;
	_ =	sdelay $0x1  }
0xa1: {  	s23 =	simm.s32 $0x1B8B  }
0xa2: {  	_ =	swait.ge [sflag:s23], $0x1  }
0xa3: {  	[sflag:s23] =	ssyncset.done $0x0  }
0xa4: {  	s25 =	simm.s32 $0x1B8E;
	s24 =	sld [smem:$0x3FFE];
	[sflag:s23] =	ssyncadd.s32 $0xFFFFFFFF  }
0xa5: {  	s26 =	simm.s32 $execute0_lowered;
	[smem:$0x3FD2] =	sst s25  }
0xa6: {  	s4 =	sshll.u32 s26, $0x1;
	_ =	strace $0x8000004C;
	[dreg:$0x1] =	wrdreg $0xFFFFFFFF  }
0xa7: {  	s28 =	simm.s32 $_size_execute0_lowered;
	s2 =	sadd.s32 s2, s4;
	[dreg:$0x0] =	wrdreg $0x0  }
0xa8: {  	s4 =	sshll.u32 s28, $0x1;
	[dreg:$0x2] =	wrdreg s2  }
0xa9: {  	[dreg:$0x3] =	wrdreg s4  }
0xaa: {  	[dreg:$0x4] =	wrdreg $0xC0  }
0xab: {  	_ =	task [dreg:s6], $0x5FFFF  }
0xac: {  	[dreg:$0x1] =	wrdreg $0xFFFFFFFF  }
0xad: {  	[dreg:$0x0] =	wrdreg $0x60  }
0xae: {  	[dreg:$0x2] =	wrdreg s24  }
0xaf: {  	[dreg:$0x3] =	wrdreg $0x21000  }
0xb0: {  	[dreg:$0x4] =	wrdreg $0x9  }
0xb1: {  	_ =	task.clear_ibuf [dreg:s6], $0x5FFFF;
	_ =	strace $0x9000004C  }
0xb2: {  	s29 =	simm.s32 $0x9;
	_ =	strace $0x8000004E  }
0xb3: {  	_ =	swait.ge [sflag:s29], $0x1  }
0xb4: {  	[sflag:s29] =	ssyncadd.s32 $0xFFFFFFFF  }
0xb5: {  	_ =	strace $0x9000004E  }
0xb6: {  	_ =	sfence  }
0xb7: {  	s30 =	sld [smem:$0x0];
	_ =	sdelay $0x2  }
0xb8: {  	s31 =	sshll.u32 s1, $0xD;
	s1 =	sshrl.u32 s1, $0x2  }
0xb9: {  	s3 =	sand.u32 $0x4000, s31;
	s1 =	sadd.s32 s1, s30  }
0xba: {  	s0 =	sor.u32 s3, s0;
	s1 =	sshll.u32 s1, $0x11  }
0xbb: {  	s0 =	sor.u32 s1, s0  }
0xbc: {  	s0 =	sadd.s32 $0x8F2B, s0  }
0xbd: {  	[sflag:s0] =	ssyncadd.remote.s32 $0x1  }
0xbe: {  	_ =	sfence.sel $0xFFFF  }
0xbf: {  	[dreg:$0x0] =	wrdreg $0xFFFFFFFF;
	(pc) =	sbr.abs _section_cstart, $3  }
0xc0: {  	[dreg:$0x1] =	wrdreg $0xFFFFFFFF  }
0xc1: {  	_ =	task.clear_ibuf [dreg:s6], $0x2FFFF;
	_ =	strace $0x9FFFFFFF  }
0xc2: {  	(tm) =	ssettm $0x7FFFFFFF  }
0xc3: {  	_ =	shalt  }
tec
execute0_lowered:
.L_overlay_start_1:
0x0: {  	(tag) =	ssettag $0x1  }
0x1: {  	s5 =	rddreg [dreg:$0x0]  }
0x2: {  	s0 =	srdreg.scid;
	s2 =	rddreg [dreg:$0x1]  }
0x3: {  	s1 =	rddreg [dreg:$0x2];
	s3 =	simm.s32 $0x0;
	s6 =	sand.u32 $0x1, s0  }
0x4: {  	s13 =	simm.s32 $0x80;
	s0 =	stileid.u32;
	s4 =	smul.u32 $0x27800, s6  }
0x5: {  	s14 =	simm.s32 $0x100;
	s15 =	simm.s32 $0x1;
	s7 =	smul.u32 $0x2780, s0  }
0x6: {  	s16 =	simm.s32 $0x0;
	[smem:$0x7FF] =	sst s3;
	s8 =	smul.u32 $0xA000, s0  }
0x7: {  	s29 =	smul.u32 $0xA0000, s6;
	_ =	strace $0x8000004D;
	s6 =	ssub.s32 $0x2, s6  }
0x8: {  	s31 =	sshll.u32 s0, $0x6;
	s30 =	sshrl.u32 s6, $0x1;
	s4 =	sadd.s32 s7, s4  }
0x9: {  	s7 =	sadd.s32 s8, s29;
	s9 =	sshrl.u32 s8, $0x3;
	s11 =	ssub.s32 s6, s30  }
0xa: {  	s12 =	sadd.s32 s8, s2;
	s6 =	sor.u32 $0x1C02, s31;
	s4 =	sshrl.u32 s4, $0x3  }
0xb: {  	s7 =	sshrl.u32 s7, $0x3;
	s9 =	sadd.s32 s9, s5;
	s8 =	smax.u32 s11, $0x1  }
0xc: {  	s11 =	sshrl.u32 s12, $0x3;
	s12 =	simm.s32 $0x2;
	s10 =	sadd.s32 s4, s5  }
0xd: {  	s4 =	sadd.s32 $0x43800, s5;
	s7 =	sadd.s32 s7, s5;
	s5 =	sadd.s32 $0x57800, s9  }
0xe: {  	s7 =	sadd.s32 $0x6B800, s7;
	s9 =	sadd.s32 $0x2C00, s10;
	s10 =	sadd.s32 $0xCA00, s10  }
.LBB2_1:
0xf: {  	[spmem:s11], [sflag:s6] =	dma.local [hbm:s5], $0x1400  }
0x10: {  	_ =	swait.ge [sflag:s12], $0x1400  }
0x11: {  	[sflag:s12] =	ssyncset.done $0x0  }
0x12: {  	[sflag:s12] =	ssyncadd.s32 $0xFFFFEC00  }
0x13: {  	s17 =	sadd.s32 $0x0, s10;
	[bflag:$0x0] =	sbarrier.arrive $0xFFFF  }
0x14: {  	[tilespmem:s3], [sflag:$0x2] =	stream.linear.gather [hbm4b:s17+s3], $0x80, $0x38;
	[tilespmem:$0xC100] =	vst v63  }
0x15: {  	_ =	swait.ge [sflag:s12], $0x80  }
0x16: {  	[sflag:s12] =	ssyncset.done $0x0  }
0x17: {  	s31 =	sadd.s32 $0x0, s9;
	[sflag:s12] =	ssyncadd.s32 $0xFFFFFF80  }
0x18: {  	[tilespmem:s13], [sflag:$0x2] =	stream.linear.gather [hbm4b:s31+s3], $0x80, $0x38;
	[tilespmem:$0xC100] =	vst v63  }
0x19: {  	_ =	swait.ge [sflag:s12], $0x80  }
0x1a: {  	[sflag:s12] =	ssyncset.done $0x0  }
0x1b: {  	[sflag:s12] =	ssyncadd.s32 $0xFFFFFF80  }
0x1c: {  	[tilespmem:s14], [sflag:$0x1] =	stream.indirect.gather [hbm4b:s4+s13], $0x40, s3, s13, $0xb8;
	[tilespmem:$0xC100] =	vst v63  }
0x1d: {  	_ =	swait.ge [sflag:s15], $0x2000  }
0x1e: {  	[sflag:s15] =	ssyncset.done $0x0  }
0x1f: {  	[sflag:s15] =	ssyncadd.s32 $0xFFFFE000  }
0x20: {  	[spmem:s2] =	stream.indirect.scatter.add.f32 [tilespmem:s14], [sflag:$0x2], $0x40, s13, s13, $0xb8;
	[tilespmem:$0xC100] =	vst v63  }
0x21: {  	_ =	swait.ge [sflag:s12], $0x2000  }
0x22: {  	s18 =	simm.s32 $0x20;
	s17 =	simm.s32 $0x10;
	[sflag:s12] =	ssyncset.done $0x0  }
.LBB2_2:
0x23: {  	s19 =	sadd.s32 s17, s10  }
0x24: {  	[sflag:s12] =	ssyncadd.s32 $0xFFFFE000;
	s20 =	smov.u32 s18;
	s21 =	sadd.s32 $0x10, s18  }
0x25: {  	[tilespmem:s3], [sflag:$0x2] =	stream.linear.gather [hbm4b:s19+s3], $0x80, $0x38;
	[tilespmem:$0xC100] =	vst v63  }
0x26: {  	p0 =	sne.s32 s18, $0x4E0;
	_ =	swait.ge [sflag:s12], $0x80  }
0x27: {  	[sflag:s12] =	ssyncset.done $0x0  }
0x28: {  	s18 =	sadd.s32 s17, s9;
	s17 =	smov.u32 s20;
	[sflag:s12] =	ssyncadd.s32 $0xFFFFFF80  }
0x29: {  	[tilespmem:s13], [sflag:$0x2] =	stream.linear.gather [hbm4b:s18+s3], $0x80, $0x38;
	[tilespmem:$0xC100] =	vst v63  }
0x2a: {  	_ =	swait.ge [sflag:s12], $0x80  }
0x2b: {  	[sflag:s12] =	ssyncset.done $0x0  }
0x2c: {  	[sflag:s12] =	ssyncadd.s32 $0xFFFFFF80  }
0x2d: {  	[tilespmem:s14], [sflag:$0x1] =	stream.indirect.gather [hbm4b:s4+s13], $0x40, s3, s13, $0xb8;
	[tilespmem:$0xC100] =	vst v63  }
0x2e: {  	_ =	swait.ge [sflag:s15], $0x2000  }
.Ltmp0:
0x2f: {  	[sflag:s15] =	ssyncset.done $0x0;
	(pc) =	sbr.rel @p0 .LBB2_2-.Ltmp0, $4  }
0x30: {  	[sflag:s15] =	ssyncadd.s32 $0xFFFFE000  }
0x31: {  	[spmem:s2] =	stream.indirect.scatter.add.f32 [tilespmem:s14], [sflag:$0x2], $0x40, s13, s13, $0xb8;
	[tilespmem:$0xC100] =	vst v63  }
0x32: {  	_ =	swait.ge [sflag:s12], $0x2000  }
0x33: {  	s18 =	smov.u32 s21;
	[sflag:s12] =	ssyncset.done $0x0  }
0x34: {  	s18 =	sadd.s32 s17, s10;
	[sflag:s12] =	ssyncadd.s32 $0xFFFFE000  }
0x35: {  	[tilespmem:s3], [sflag:$0x2] =	stream.linear.gather [hbm4b:s18+s3], $0x80, $0x38;
	[tilespmem:$0xC100] =	vst v63  }
0x36: {  	_ =	swait.ge [sflag:s12], $0x80  }
0x37: {  	[sflag:s12] =	ssyncset.done $0x0  }
0x38: {  	s31 =	sadd.s32 s17, s9;
	[sflag:s12] =	ssyncadd.s32 $0xFFFFFF80  }
0x39: {  	[tilespmem:s13], [sflag:$0x2] =	stream.linear.gather [hbm4b:s31+s3], $0x80, $0x38;
	[tilespmem:$0xC100] =	vst v63  }
0x3a: {  	_ =	swait.ge [sflag:s12], $0x80  }
0x3b: {  	[sflag:s12] =	ssyncset.done $0x0  }
0x3c: {  	[sflag:s12] =	ssyncadd.s32 $0xFFFFFF80  }
0x3d: {  	[tilespmem:s14], [sflag:$0x1] =	stream.indirect.gather [hbm4b:s4+s13], $0x40, s3, s13, $0xb8;
	[tilespmem:$0xC100] =	vst v63  }
0x3e: {  	_ =	swait.ge [sflag:s15], $0x2000  }
0x3f: {  	[sflag:s15] =	ssyncset.done $0x0  }
0x40: {  	[sflag:s15] =	ssyncadd.s32 $0xFFFFE000  }
0x41: {  	[spmem:s2] =	stream.indirect.scatter.add.f32 [tilespmem:s14], [sflag:$0x2], $0x40, s13, s13, $0xb8;
	[tilespmem:$0xC100] =	vst v63  }
0x42: {  	_ =	swait.ge [sflag:s12], $0x2000  }
0x43: {  	s16 =	sadd.s32 $0x1, s16;
	[sflag:s12] =	ssyncset.done $0x0  }
0x44: {  	p0 =	sne.s32 s16, s8;
	[sflag:s12] =	ssyncadd.s32 $0xFFFFE000  }
.Ltmp1:
0x45: {  	[bflag:$0x0] =	sbarrier.arrive $0xFFFF;
	(pc) =	sbr.rel @p0 .LBB2_1-.Ltmp1, $4  }
0x46: {  	[hbm:s7], [sflag:s6] =	dma.local [spmem:s11], $0x1400  }
0x47: {  	_ =	swait.ge [sflag:s12], $0x1400  }
0x48: {  	[sflag:s12] =	ssyncset.done $0x0  }
0x49: {  	[sflag:s12] =	ssyncadd.s32 $0xFFFFEC00  }
0x4a: {  	_ =	sfence.sel $0x180000  }
0x4b: {  	[bflag:$0x0] =	sbarrier.arrive $0xFFFF  }
0x4c: {  	p0 =	sne.s32 s0, $0x0;
	_ =	strace $0x9000004D  }
0x4d: {  	s0 =	sadd.s32 @!p0 $0x100000, s1;
	[bflag:$0x2] =	sbarrier.arrive $0xFFFF  }
0x4e: {  	[sflag:s0] =	ssyncadd.tile.s32 @!p0 $0x1;
	_ =	shalt  }
.Lfunc_end2:
_tile_overlayer_lowered:
.L_overlay_start_2:
0x4f: {  	(tag) =	ssettag $0x2  }
0x50: {  	s0 =	rddreg [dreg:$0x0];
	s2 =	stileid.u32  }
0x51: {  	s1 =	rddreg [dreg:$0x1];
	p0 =	sne.s32 s2, $0x0  }
0x52: {  	s3 =	rddreg [dreg:$0x2];
	[bflag:$0x3] =	sbarrier.arrive $0xFFFF;
	s2 =	simm.s32 @!p0 $0x1C02  }
0x53: {  	[timem:s3], [sflag:s2] =	dma.local @!p0 [hbm:s0], s1  }
0x54: {  	s0 =	simm.s32 @!p0 $0x2  }
0x55: {  	_ =	swait.ge @!p0 [sflag:s0], s1  }
0x56: {  	s1 =	ssub.s32 @!p0 $0x0, s1;
	[sflag:s0] =	ssyncset.done @!p0 $0x0  }
0x57: {  	[sflag:s0] =	ssyncadd.s32 @!p0 s1  }
0x58: {  	[bflag:$0x3] =	sbarrier.arrive $0xFFFF  }
0x59: {  	_ =	shalt  }

// kernel: kernel.19.cloned.1.call-start
scs
__scs_entry_jumppad:
0x0: {  	(pc) =	sbr.rel $0x88, $3  }
0x1: {  	(tag) =	ssettag $0x0;
	lr =	simm.s32 $0x1  }
0x2: {  	[smem:$0x3F99] =	sst lr;
	_ =	strace $0xD0000000  }
0x3: {  	_ = 	snop  }
0x4: {  	_ = 	snop  }
0x5: {  	_ = 	snop  }
0x6: {  	_ = 	snop  }
0x7: {  	_ = 	snop  }
__scs_overlays_trampoline_lowered:
0x8: {  	[smem:$0x3FA8] =	sst s0  }
0x9: {  	[smem:$0x3FA9] =	sst s1  }
0xa: {  	[smem:$0x3FAA] =	sst s2  }
0xb: {  	[smem:$0x3FAB] =	sst s3  }
0xc: {  	[smem:$0x3FAC] =	sst s4  }
0xd: {  	[smem:$0x3FAD] =	sst s5  }
0xe: {  	[smem:$0x3FAE] =	sst s6  }
0xf: {  	[smem:$0x3FAF] =	sst s7  }
0x10: {  	[smem:$0x3FB0] =	sst s8  }
0x11: {  	[smem:$0x3FB1] =	sst s9;
	s0 =	simm.s32 @!p0 $0x0  }
0x12: {  	s1 =	sld [smem:$0x3F97];
	s0 =	simm.s32 @p0 $0x1  }
0x13: {  	[smem:$0x3FB2] =	sst s0;
	s0 =	simm.s32 @!p1 $0x0  }
0x14: {  	s2 =	sld [smem:$0x3F96];
	s0 =	simm.s32 @p1 $0x1  }
0x15: {  	[smem:$0x3FB3] =	sst s0;
	s0 =	simm.s32 @!p2 $0x0  }
0x16: {  	s3 =	sld [smem:$0x3FDB];
	s0 =	simm.s32 @p2 $0x1  }
0x17: {  	s4 =	simm.s32 $0x1BF5;
	[smem:$0x3FB5] =	sst s0  }
0x18: {  	s0 =	sld [smem:$0x3F98];
	_ =	swait.ge [sflag:s4], $0x0  }
0x19: {  	s7 =	sld [smem:$0x3F99]  }
0x1a: {  	s8 =	sadd.s32 $0xFFFFE003, lr  }
0x1b: {  	s9 =	sadd.s32 $0xFFFFFEF7, lr;
	s5 =	simm.s32 $0xFFFFFFFF;
	p2 =	slt.u32 s8, $0xFFFFF086  }
0x1c: {  	p1 =	slt.u32 s9, $0xF7A;
	s5 =	simm.s32 @!p2 $0x0  }
0x1d: {  	s5 =	simm.s32 @p1 $0x1;
	p0 =	seq.s32 s7, s2  }
0x1e: {  	s7 =	smul.u32 @!p0 $0xF7A, s2;
	p2 =	seq.s32 @!p0 s5, $0x0  }
0x1f: {  	s9 =	smul.u32 $0xF7A, s1;
	s8 =	simm.s32 @!p0 $0x1BF5;
	p2 =	por !p2, p0  }
0x20: {  	[sflag:s8] =	ssyncset.s32 @!p0 $0xFFFFF086;
	s6 =	sadd.s32 @!p0 s3, s7;
	s7 =	simm.s32 @!p0 $0x108  }
0x21: {  	s3 =	sadd.s32 s3, s9;
	s6 =	sadd.s32 @!p0 $0x88, s6;
	s7 =	simm.s32 @p2 $0x1082  }
0x22: {  	[simem:s7], [sflag:s8] =	dma.local @!p0 [hbm:s6], $0xF7A  }
0x23: {  	s9 =	sor.u32 $0xD0000000, s2;
	s6 =	simm.s32 $0x108;
	_ =	swait.ge @!p0 [sflag:s8], $0x0  }
0x24: {  	s3 =	sadd.s32 $0x88, s3;
	s6 =	simm.s32 @!p1 $0x1082;
	[sflag:s4] =	ssyncset.s32 $0xFFFFF086  }
0x25: {  	[simem:s6], [sflag:s4] =	dma.local [hbm:s3], $0xF7A  }
0x26: {  	[smem:$0x3F99] =	sst s1;
	(tag) =	ssettag s2;
	_ =	strace s9  }
0x27: {  	s1 =	sld [smem:$0x3FA9]  }
0x28: {  	s2 =	sld [smem:$0x3FAA]  }
0x29: {  	s4 =	sld [smem:$0x3FAC]  }
0x2a: {  	p0 =	seq.s32 s5, $0x0;
	s5 =	sld [smem:$0x3FAD]  }
0x2b: {  	s6 =	sld [smem:$0x3FAE]  }
0x2c: {  	s7 =	sld [smem:$0x3FAF]  }
0x2d: {  	s3 =	simm.s32 $0x108;
	s8 =	sld [smem:$0x3FB0]  }
0x2e: {  	s3 =	simm.s32 @!p0 $0x1082;
	s9 =	sld [smem:$0x3FB1]  }
0x2f: {  	lr =	sadd.s32 s0, s3;
	s0 =	sld [smem:$0x3FA8]  }
0x30: {  	s3 =	sld [smem:$0x3FAB]  }
0x31: {  	[smem:$0x3FB4] =	sst s10  }
0x32: {  	s10 =	sld [smem:$0x3FB2];
	_ =	sdelay $0x3  }
0x33: {  	p0 =	seq.s32 s10, $0x1;
	s10 =	sld [smem:$0x3FB4];
	_ =	sdelay $0x3  }
0x34: {  	[smem:$0x3FB4] =	sst s10  }
0x35: {  	s10 =	sld [smem:$0x3FB3];
	_ =	sdelay $0x3  }
0x36: {  	p1 =	seq.s32 s10, $0x1;
	s10 =	sld [smem:$0x3FB4];
	_ =	sdelay $0x3  }
0x37: {  	[smem:$0x3FB4] =	sst s10  }
0x38: {  	s10 =	sld [smem:$0x3FB5]  }
0x39: {  	_ = 	snop;
	(pc) =	sbr.ind lr, $3  }
0x3a: {  	_ = 	snop  }
0x3b: {  	_ = 	snop  }
0x3c: {  	p2 =	seq.s32 s10, $0x1;
	s10 =	sld [smem:$0x3FB4]  }
0x3d: {  	_ =	shalt  }
0x3e: {  	_ =	shalt  }
0x3f: {  	_ =	shalt  }
0x40: {  	_ =	shalt  }
0x41: {  	_ =	shalt  }
0x42: {  	_ =	shalt  }
0x43: {  	_ =	shalt  }
0x44: {  	_ =	shalt  }
0x45: {  	_ =	shalt  }
0x46: {  	_ =	shalt  }
0x47: {  	_ =	shalt  }
0x48: {  	_ =	shalt  }
0x49: {  	_ =	shalt  }
0x4a: {  	_ =	shalt  }
0x4b: {  	_ =	shalt  }
0x4c: {  	_ =	shalt  }
0x4d: {  	_ =	shalt  }
0x4e: {  	_ =	shalt  }
0x4f: {  	_ =	shalt  }
0x50: {  	_ =	shalt  }
0x51: {  	_ =	shalt  }
0x52: {  	_ =	shalt  }
0x53: {  	_ =	shalt  }
0x54: {  	_ =	shalt  }
0x55: {  	_ =	shalt  }
0x56: {  	_ =	shalt  }
0x57: {  	_ =	shalt  }
0x58: {  	_ =	shalt  }
0x59: {  	_ =	shalt  }
0x5a: {  	_ =	shalt  }
0x5b: {  	_ =	shalt  }
0x5c: {  	_ =	shalt  }
0x5d: {  	_ =	shalt  }
0x5e: {  	_ =	shalt  }
0x5f: {  	_ =	shalt  }
0x60: {  	_ =	shalt  }
0x61: {  	_ =	shalt  }
0x62: {  	_ =	shalt  }
0x63: {  	_ =	shalt  }
0x64: {  	_ =	shalt  }
0x65: {  	_ =	shalt  }
0x66: {  	_ =	shalt  }
0x67: {  	_ =	shalt  }
0x68: {  	_ =	shalt  }
0x69: {  	_ =	shalt  }
0x6a: {  	_ =	shalt  }
0x6b: {  	_ =	shalt  }
0x6c: {  	_ =	shalt  }
0x6d: {  	_ =	shalt  }
0x6e: {  	_ =	shalt  }
0x6f: {  	_ =	shalt  }
0x70: {  	_ =	shalt  }
0x71: {  	_ =	shalt  }
0x72: {  	_ =	shalt  }
0x73: {  	_ =	shalt  }
0x74: {  	_ =	shalt  }
0x75: {  	_ =	shalt  }
0x76: {  	_ =	shalt  }
0x77: {  	_ =	shalt  }
0x78: {  	_ =	shalt  }
0x79: {  	_ =	shalt  }
0x7a: {  	_ =	shalt  }
0x7b: {  	_ =	shalt  }
0x7c: {  	_ =	shalt  }
0x7d: {  	_ =	shalt  }
0x7e: {  	_ =	shalt  }
0x7f: {  	_ =	shalt  }
0x80: {  	_ =	shalt  }
0x81: {  	_ =	shalt  }
0x82: {  	_ =	shalt  }
0x83: {  	_ =	shalt  }
0x84: {  	_ =	shalt  }
0x85: {  	_ =	shalt  }
0x86: {  	_ =	shalt  }
0x87: {  	_ =	shalt  }
.Lfunc_end0:
.L_simem_size_0:
called_computation.3_lowered:
.L_overlay_start_0:
0x88: {  	s2 =	sld [smem:$0x3FD9]  }
0x89: {  	s3 =	sld [smem:$0x3FFE];
	_ =	sdelay $0x1  }
0x8a: {  	s1 =	srdreg.scid  }
0x8b: {  	s0 =	sand.u32 $0x1, s1  }
0x8c: {  	s16 =	sshll.u32 s0, $0xA;
	s2 =	sadd.s32 s3, s2  }
0x8d: {  	s2 =	sadd.s32 s2, s16  }
0x8e: {  	[smem:$0x3FC0] =	sst s2  }
0x8f: {  	_ = 	snop  }
0x90: {  	(tm) =	ssettm $0x1  }
0x91: {  	s17 =	sld [smem:$0x3FFB];
	_ =	sdelay $0x3  }
0x92: {  	_ =	strace s17  }
0x93: {  	s2 =	sld [smem:$0x3FFC];
	_ =	sdelay $0x3  }
0x94: {  	_ =	strace s2  }
0x95: {  	s2 =	sld [smem:$0x3FFD];
	_ =	sdelay $0x3  }
0x96: {  	_ =	strace s2  }
0x97: {  	_ =	strace $0x8FFFFFFF  }
0x98: {  	s18 =	sld [smem:$0x3FDB];
	_ =	sdelay $0x1  }
0x99: {  	s19 =	simm.s32 $_scs_section_size  }
0x9a: {  	s4 =	simm.s32 $_size__tile_overlayer_lowered;
	s5 =	simm.s32 $_tile_overlayer_lowered  }
0x9b: {  	s22 =	simm.s32 $0x1BFF;
	s21 =	sshll.u32 s5, $0x1;
	s2 =	sadd.s32 s19, s18  }
0x9c: {  	s6 =	simm.s32 $0x0;
	s20 =	sshll.u32 s4, $0x1;
	s4 =	sadd.s32 s21, s2  }
0x9d: {  	[timem:s6], [sflag:s22] =	dma.local [hbm:s4], s20  }
0x9e: {  	_ =	swait.ge [sflag:s22], s20  }
0x9f: {  	s3 =	ssub.s32 $0x0, s20;
	[sflag:s22] =	ssyncset.done $0x0  }
0xa0: {  	[sflag:s22] =	ssyncadd.s32 s3;
	_ =	sdelay $0x1  }
0xa1: {  	s23 =	simm.s32 $0x1B8B  }
0xa2: {  	_ =	swait.ge [sflag:s23], $0x1  }
0xa3: {  	[sflag:s23] =	ssyncset.done $0x0  }
0xa4: {  	s25 =	simm.s32 $0x1B8E;
	s24 =	sld [smem:$0x3FFE];
	[sflag:s23] =	ssyncadd.s32 $0xFFFFFFFF  }
0xa5: {  	s26 =	simm.s32 $execute0_lowered;
	[smem:$0x3FD2] =	sst s25  }
0xa6: {  	s4 =	sshll.u32 s26, $0x1;
	_ =	strace $0x8000004F;
	[dreg:$0x1] =	wrdreg $0xFFFFFFFF  }
0xa7: {  	s28 =	simm.s32 $_size_execute0_lowered;
	s2 =	sadd.s32 s2, s4;
	[dreg:$0x0] =	wrdreg $0x0  }
0xa8: {  	s4 =	sshll.u32 s28, $0x1;
	[dreg:$0x2] =	wrdreg s2  }
0xa9: {  	[dreg:$0x3] =	wrdreg s4  }
0xaa: {  	[dreg:$0x4] =	wrdreg $0xC0  }
0xab: {  	_ =	task [dreg:s6], $0x5FFFF  }
0xac: {  	[dreg:$0x1] =	wrdreg $0xFFFFFFFF  }
0xad: {  	[dreg:$0x0] =	wrdreg $0x60  }
0xae: {  	[dreg:$0x2] =	wrdreg s24  }
0xaf: {  	[dreg:$0x3] =	wrdreg $0x9000  }
0xb0: {  	[dreg:$0x4] =	wrdreg $0x9  }
0xb1: {  	_ =	task.clear_ibuf [dreg:s6], $0x5FFFF;
	_ =	strace $0x9000004F  }
0xb2: {  	s29 =	simm.s32 $0x9;
	_ =	strace $0x80000051  }
0xb3: {  	_ =	swait.ge [sflag:s29], $0x1  }
0xb4: {  	[sflag:s29] =	ssyncadd.s32 $0xFFFFFFFF  }
0xb5: {  	_ =	strace $0x90000051  }
0xb6: {  	_ =	sfence  }
0xb7: {  	s30 =	sld [smem:$0x0];
	_ =	sdelay $0x2  }
0xb8: {  	s31 =	sshll.u32 s1, $0xD;
	s1 =	sshrl.u32 s1, $0x2  }
0xb9: {  	s3 =	sand.u32 $0x4000, s31;
	s1 =	sadd.s32 s1, s30  }
0xba: {  	s0 =	sor.u32 s3, s0;
	s1 =	sshll.u32 s1, $0x11  }
0xbb: {  	s0 =	sor.u32 s1, s0  }
0xbc: {  	s0 =	sadd.s32 $0x8F2B, s0  }
0xbd: {  	[sflag:s0] =	ssyncadd.remote.s32 $0x1  }
0xbe: {  	_ =	sfence.sel $0xFFFF  }
0xbf: {  	[dreg:$0x0] =	wrdreg $0xFFFFFFFF;
	(pc) =	sbr.abs _section_cstart, $3  }
0xc0: {  	[dreg:$0x1] =	wrdreg $0xFFFFFFFF  }
0xc1: {  	_ =	task.clear_ibuf [dreg:s6], $0x2FFFF;
	_ =	strace $0x9FFFFFFF  }
0xc2: {  	(tm) =	ssettm $0x7FFFFFFF  }
0xc3: {  	_ =	shalt  }
tec
execute0_lowered:
.L_overlay_start_1:
0x0: {  	(tag) =	ssettag $0x1  }
0x1: {  	s5 =	rddreg [dreg:$0x0]  }
0x2: {  	s0 =	srdreg.scid;
	s2 =	rddreg [dreg:$0x1]  }
0x3: {  	s1 =	rddreg [dreg:$0x2];
	s3 =	simm.s32 $0x0;
	s6 =	sand.u32 $0x1, s0  }
0x4: {  	s13 =	simm.s32 $0x80;
	s0 =	stileid.u32;
	s4 =	smul.u32 $0x27800, s6  }
0x5: {  	s14 =	simm.s32 $0x100;
	s15 =	simm.s32 $0x1;
	s7 =	smul.u32 $0x2780, s0  }
0x6: {  	s16 =	simm.s32 $0x0;
	[smem:$0x7FF] =	sst s3;
	s8 =	smul.u32 $0x2800, s0  }
0x7: {  	s29 =	smul.u32 $0x28000, s6;
	_ =	strace $0x80000050;
	s6 =	ssub.s32 $0x2, s6  }
0x8: {  	s31 =	sshll.u32 s0, $0x6;
	s30 =	sshrl.u32 s6, $0x1;
	s4 =	sadd.s32 s7, s4  }
0x9: {  	s7 =	sadd.s32 s8, s29;
	s9 =	sshrl.u32 s8, $0x3;
	s11 =	ssub.s32 s6, s30  }
0xa: {  	s12 =	sadd.s32 s8, s2;
	s6 =	sor.u32 $0x1C02, s31;
	s4 =	sshrl.u32 s4, $0x3  }
0xb: {  	s7 =	sshrl.u32 s7, $0x3;
	s9 =	sadd.s32 s9, s5;
	s8 =	smax.u32 s11, $0x1  }
0xc: {  	s11 =	sshrl.u32 s12, $0x3;
	s12 =	simm.s32 $0x2;
	s10 =	sadd.s32 s4, s5  }
0xd: {  	s4 =	sadd.s32 $0x43800, s5;
	s7 =	sadd.s32 s7, s5;
	s5 =	sadd.s32 $0x16800, s9  }
0xe: {  	s7 =	sadd.s32 $0x48800, s7;
	s9 =	sadd.s32 $0x2C00, s10;
	s10 =	sadd.s32 $0xCA00, s10  }
.LBB2_1:
0xf: {  	[spmem:s11], [sflag:s6] =	dma.local [hbm:s5], $0x500  }
0x10: {  	_ =	swait.ge [sflag:s12], $0x500  }
0x11: {  	[sflag:s12] =	ssyncset.done $0x0  }
0x12: {  	[sflag:s12] =	ssyncadd.s32 $0xFFFFFB00  }
0x13: {  	s17 =	sadd.s32 $0x0, s10;
	[bflag:$0x0] =	sbarrier.arrive $0xFFFF  }
0x14: {  	[tilespmem:s3], [sflag:$0x2] =	stream.linear.gather [hbm4b:s17+s3], $0x80, $0x38;
	[tilespmem:$0x3100] =	vst v63  }
0x15: {  	_ =	swait.ge [sflag:s12], $0x80  }
0x16: {  	[sflag:s12] =	ssyncset.done $0x0  }
0x17: {  	s31 =	sadd.s32 $0x0, s9;
	[sflag:s12] =	ssyncadd.s32 $0xFFFFFF80  }
0x18: {  	[tilespmem:s13], [sflag:$0x2] =	stream.linear.gather [hbm4b:s31+s3], $0x80, $0x38;
	[tilespmem:$0x3100] =	vst v63  }
0x19: {  	_ =	swait.ge [sflag:s12], $0x80  }
0x1a: {  	[sflag:s12] =	ssyncset.done $0x0  }
0x1b: {  	[sflag:s12] =	ssyncadd.s32 $0xFFFFFF80  }
0x1c: {  	[tilespmem:s14], [sflag:$0x1] =	stream.indirect.gather [hbm4b:s4+s13], $0x10, s3, s13, $0xb8;
	[tilespmem:$0x3100] =	vst v63  }
0x1d: {  	_ =	swait.ge [sflag:s15], $0x800  }
0x1e: {  	[sflag:s15] =	ssyncset.done $0x0  }
0x1f: {  	[sflag:s15] =	ssyncadd.s32 $0xFFFFF800  }
0x20: {  	[spmem:s2] =	stream.indirect.scatter.add.f32 [tilespmem:s14], [sflag:$0x2], $0x10, s13, s13, $0xb8;
	[tilespmem:$0x3100] =	vst v63  }
0x21: {  	_ =	swait.ge [sflag:s12], $0x800  }
0x22: {  	s18 =	simm.s32 $0x20;
	s17 =	simm.s32 $0x10;
	[sflag:s12] =	ssyncset.done $0x0  }
.LBB2_2:
0x23: {  	s19 =	sadd.s32 s17, s10  }
0x24: {  	[sflag:s12] =	ssyncadd.s32 $0xFFFFF800;
	s20 =	smov.u32 s18;
	s21 =	sadd.s32 $0x10, s18  }
0x25: {  	[tilespmem:s3], [sflag:$0x2] =	stream.linear.gather [hbm4b:s19+s3], $0x80, $0x38;
	[tilespmem:$0x3100] =	vst v63  }
0x26: {  	p0 =	sne.s32 s18, $0x4E0;
	_ =	swait.ge [sflag:s12], $0x80  }
0x27: {  	[sflag:s12] =	ssyncset.done $0x0  }
0x28: {  	s18 =	sadd.s32 s17, s9;
	s17 =	smov.u32 s20;
	[sflag:s12] =	ssyncadd.s32 $0xFFFFFF80  }
0x29: {  	[tilespmem:s13], [sflag:$0x2] =	stream.linear.gather [hbm4b:s18+s3], $0x80, $0x38;
	[tilespmem:$0x3100] =	vst v63  }
0x2a: {  	_ =	swait.ge [sflag:s12], $0x80  }
0x2b: {  	[sflag:s12] =	ssyncset.done $0x0  }
0x2c: {  	[sflag:s12] =	ssyncadd.s32 $0xFFFFFF80  }
0x2d: {  	[tilespmem:s14], [sflag:$0x1] =	stream.indirect.gather [hbm4b:s4+s13], $0x10, s3, s13, $0xb8;
	[tilespmem:$0x3100] =	vst v63  }
0x2e: {  	_ =	swait.ge [sflag:s15], $0x800  }
.Ltmp0:
0x2f: {  	[sflag:s15] =	ssyncset.done $0x0;
	(pc) =	sbr.rel @p0 .LBB2_2-.Ltmp0, $4  }
0x30: {  	[sflag:s15] =	ssyncadd.s32 $0xFFFFF800  }
0x31: {  	[spmem:s2] =	stream.indirect.scatter.add.f32 [tilespmem:s14], [sflag:$0x2], $0x10, s13, s13, $0xb8;
	[tilespmem:$0x3100] =	vst v63  }
0x32: {  	_ =	swait.ge [sflag:s12], $0x800  }
0x33: {  	s18 =	smov.u32 s21;
	[sflag:s12] =	ssyncset.done $0x0  }
0x34: {  	s18 =	sadd.s32 s17, s10;
	[sflag:s12] =	ssyncadd.s32 $0xFFFFF800  }
0x35: {  	[tilespmem:s3], [sflag:$0x2] =	stream.linear.gather [hbm4b:s18+s3], $0x80, $0x38;
	[tilespmem:$0x3100] =	vst v63  }
0x36: {  	_ =	swait.ge [sflag:s12], $0x80  }
0x37: {  	[sflag:s12] =	ssyncset.done $0x0  }
0x38: {  	s31 =	sadd.s32 s17, s9;
	[sflag:s12] =	ssyncadd.s32 $0xFFFFFF80  }
0x39: {  	[tilespmem:s13], [sflag:$0x2] =	stream.linear.gather [hbm4b:s31+s3], $0x80, $0x38;
	[tilespmem:$0x3100] =	vst v63  }
0x3a: {  	_ =	swait.ge [sflag:s12], $0x80  }
0x3b: {  	[sflag:s12] =	ssyncset.done $0x0  }
0x3c: {  	[sflag:s12] =	ssyncadd.s32 $0xFFFFFF80  }
0x3d: {  	[tilespmem:s14], [sflag:$0x1] =	stream.indirect.gather [hbm4b:s4+s13], $0x10, s3, s13, $0xb8;
	[tilespmem:$0x3100] =	vst v63  }
0x3e: {  	_ =	swait.ge [sflag:s15], $0x800  }
0x3f: {  	[sflag:s15] =	ssyncset.done $0x0  }
0x40: {  	[sflag:s15] =	ssyncadd.s32 $0xFFFFF800  }
0x41: {  	[spmem:s2] =	stream.indirect.scatter.add.f32 [tilespmem:s14], [sflag:$0x2], $0x10, s13, s13, $0xb8;
	[tilespmem:$0x3100] =	vst v63  }
0x42: {  	_ =	swait.ge [sflag:s12], $0x800  }
0x43: {  	s16 =	sadd.s32 $0x1, s16;
	[sflag:s12] =	ssyncset.done $0x0  }
0x44: {  	p0 =	sne.s32 s16, s8;
	[sflag:s12] =	ssyncadd.s32 $0xFFFFF800  }
.Ltmp1:
0x45: {  	[bflag:$0x0] =	sbarrier.arrive $0xFFFF;
	(pc) =	sbr.rel @p0 .LBB2_1-.Ltmp1, $4  }
0x46: {  	[hbm:s7], [sflag:s6] =	dma.local [spmem:s11], $0x500  }
0x47: {  	_ =	swait.ge [sflag:s12], $0x500  }
0x48: {  	[sflag:s12] =	ssyncset.done $0x0  }
0x49: {  	[sflag:s12] =	ssyncadd.s32 $0xFFFFFB00  }
0x4a: {  	_ =	sfence.sel $0x180000  }
0x4b: {  	[bflag:$0x0] =	sbarrier.arrive $0xFFFF  }
0x4c: {  	p0 =	sne.s32 s0, $0x0;
	_ =	strace $0x90000050  }
0x4d: {  	s0 =	sadd.s32 @!p0 $0x100000, s1;
	[bflag:$0x2] =	sbarrier.arrive $0xFFFF  }
0x4e: {  	[sflag:s0] =	ssyncadd.tile.s32 @!p0 $0x1;
	_ =	shalt  }
.Lfunc_end2:
_tile_overlayer_lowered:
.L_overlay_start_2:
0x4f: {  	(tag) =	ssettag $0x2  }
0x50: {  	s0 =	rddreg [dreg:$0x0];
	s2 =	stileid.u32  }
0x51: {  	s1 =	rddreg [dreg:$0x1];
	p0 =	sne.s32 s2, $0x0  }
0x52: {  	s3 =	rddreg [dreg:$0x2];
	[bflag:$0x3] =	sbarrier.arrive $0xFFFF;
	s2 =	simm.s32 @!p0 $0x1C02  }
0x53: {  	[timem:s3], [sflag:s2] =	dma.local @!p0 [hbm:s0], s1  }
0x54: {  	s0 =	simm.s32 @!p0 $0x2  }
0x55: {  	_ =	swait.ge @!p0 [sflag:s0], s1  }
0x56: {  	s1 =	ssub.s32 @!p0 $0x0, s1;
	[sflag:s0] =	ssyncset.done @!p0 $0x0  }
0x57: {  	[sflag:s0] =	ssyncadd.s32 @!p0 s1  }
0x58: {  	[bflag:$0x3] =	sbarrier.arrive $0xFFFF  }
0x59: {  	_ =	shalt  }

</sc_bundles>
